<compile_context>
chip_gen: v7x
topology: tpu7x:2x2x1
jax: 0.10.2.dev20260603
libtpu: 0.0.44.dev20260713+nightly
codegen_flags: <defaults>
</compile_context>

<pallas_src>
import functools

import jax
import jax.numpy as jnp
from jax import lax
from jax.experimental import pallas as pl
from jax.experimental.pallas import tpu as pltpu
from jax.experimental.pallas import tpu_sc as plsc

E = 8
D = 1024
FF = 2048
S = 2048
BT = 128
NPAD = S + E * BT
RCHUNK = 256
NW = 32
TPW = S // NW
FSPLIT = 4
FH = FF // FSPLIT


def _dot_t(a, b):
    return lax.dot_general(a, b, (((1,), (1,)), ((), ())),
                           preferred_element_type=jnp.float32)



def _router_body(x_ref, gate_ref, probs_ref, pos_ref, meta_ref, oh_ref):
    logits = _dot_t(x_ref[...], gate_ref[...])
    probs_ref[...] = jax.nn.softmax(logits, axis=-1)

    m = jnp.max(logits, axis=1, keepdims=True)
    eiota = lax.broadcasted_iota(jnp.int32, (S, E), 1)
    sel = jnp.min(jnp.where(logits >= m, eiota, E), axis=1)
    onehot = (sel[:, None] == eiota).astype(jnp.float32)
    oh_ref[...] = onehot

    counts = jnp.sum(onehot, axis=0, keepdims=True)
    segpad = jnp.ceil(counts / BT) * BT
    tri8 = (lax.broadcasted_iota(jnp.int32, (E, E), 0)
            < lax.broadcasted_iota(jnp.int32, (E, E), 1)).astype(jnp.float32)
    starts = jnp.dot(segpad, tri8, preferred_element_type=jnp.float32)

    tril = (lax.broadcasted_iota(jnp.int32, (RCHUNK, RCHUNK), 0)
            > lax.broadcasted_iota(jnp.int32, (RCHUNK, RCHUNK), 1)
            ).astype(jnp.float32)

    def body(c, base):
        oc = oh_ref[pl.ds(c * RCHUNK, RCHUNK), :]
        ranks = jnp.dot(tril, oc, preferred_element_type=jnp.float32) + base
        dest = jnp.sum((ranks + starts) * oc, axis=1)
        pos_ref[pl.ds(c * RCHUNK, RCHUNK)] = dest.astype(jnp.int32)
        return base + jnp.sum(oc, axis=0, keepdims=True)

    lax.fori_loop(0, S // RCHUNK, body, jnp.zeros((1, E), jnp.float32))

    nck = segpad / BT
    row0 = jnp.pad(starts, ((0, 0), (0, 8))).astype(jnp.int32)
    row1 = jnp.pad(nck, ((0, 0), (0, 8))).astype(jnp.int32)
    meta_ref[...] = jnp.concatenate([row0, row1], axis=0)


def _router(x, gate_w):
    return pl.pallas_call(
        _router_body,
        in_specs=[
            pl.BlockSpec((S, D), lambda: (0, 0)),
            pl.BlockSpec((E, D), lambda: (0, 0)),
        ],
        out_specs=[
            pl.BlockSpec((S, E), lambda: (0, 0)),
            pl.BlockSpec((S,), lambda: (0,)),
            pl.BlockSpec((2, 16), lambda: (0, 0)),
        ],
        out_shape=[
            jax.ShapeDtypeStruct((S, E), jnp.float32),
            jax.ShapeDtypeStruct((S,), jnp.int32),
            jax.ShapeDtypeStruct((2, 16), jnp.int32),
        ],
        scratch_shapes=[pltpu.VMEM((S, E), jnp.float32)],
    )(x, gate_w)



@functools.lru_cache(maxsize=None)
def _dispatch_kernel():
    mesh = plsc.VectorSubcoreMesh(core_axis_name="c", subcore_axis_name="s")

    @functools.partial(
        pl.kernel, mesh=mesh,
        out_type=jax.ShapeDtypeStruct((NPAD, D), jnp.float32),
        scratch_types=[
            pltpu.VMEM((TPW,), jnp.int32),
            pltpu.VMEM((TPW, D), jnp.float32),
            pltpu.SemaphoreType.DMA,
        ],
    )
    def dispatch(x_hbm, pos_hbm, xs_hbm, idx_v, rows_v, sem):
        wid = lax.axis_index("s") * 2 + lax.axis_index("c")
        base = wid * TPW
        pltpu.sync_copy(pos_hbm.at[pl.ds(base, TPW)], idx_v)
        pltpu.sync_copy(x_hbm.at[pl.ds(base, TPW)], rows_v)
        pltpu.async_copy(rows_v, xs_hbm.at[idx_v], sem).wait()

    return dispatch


def _dispatch(x, pos):
    return _dispatch_kernel()(x, pos)



def _experts_body(meta_ref, xs_ref, w1_ref, w3_ref, w2_ref, out_ref):
    e = pl.program_id(0)
    f = pl.program_id(1)
    start = pl.multiple_of(meta_ref[0, e], BT)
    nck = meta_ref[1, e]
    w1 = w1_ref[0]
    w3 = w3_ref[0]
    w2 = w2_ref[0]

    def body(j, _):
        off = pl.multiple_of(start + j * BT, BT)
        xs = xs_ref[pl.ds(off, BT), :]
        h = jax.nn.silu(_dot_t(xs, w1)) * _dot_t(xs, w3)
        out = _dot_t(h, w2)
        prev = jnp.where(f == 0, 0.0, out_ref[pl.ds(off, BT), :])
        out_ref[pl.ds(off, BT), :] = prev + out
        return 0

    lax.fori_loop(0, nck, body, 0)


def _experts(xs, w1, w3, w2, meta):
    grid_spec = pltpu.PrefetchScalarGridSpec(
        num_scalar_prefetch=1,
        grid=(E, FSPLIT),
        in_specs=[
            pl.BlockSpec((NPAD, D), lambda e, f, m: (0, 0)),
            pl.BlockSpec((1, FH, D), lambda e, f, m: (e, f, 0)),
            pl.BlockSpec((1, FH, D), lambda e, f, m: (e, f, 0)),
            pl.BlockSpec((1, D, FH), lambda e, f, m: (e, 0, f)),
        ],
        out_specs=pl.BlockSpec((NPAD, D), lambda e, f, m: (0, 0)),
    )
    return pl.pallas_call(
        _experts_body,
        grid_spec=grid_spec,
        out_shape=jax.ShapeDtypeStruct((NPAD, D), jnp.float32),
    )(meta, xs, w1, w3, w2)



@functools.lru_cache(maxsize=None)
def _combine_kernel():
    mesh = plsc.VectorSubcoreMesh(core_axis_name="c", subcore_axis_name="s")

    @functools.partial(
        pl.kernel, mesh=mesh,
        out_type=jax.ShapeDtypeStruct((S, D), jnp.float32),
        scratch_types=[
            pltpu.VMEM((TPW,), jnp.int32),
            pltpu.VMEM((TPW, D), jnp.float32),
            pltpu.SemaphoreType.DMA,
        ],
    )
    def combine(outs_hbm, pos_hbm, final_hbm, idx_v, rows_v, sem):
        wid = lax.axis_index("s") * 2 + lax.axis_index("c")
        base = wid * TPW
        pltpu.sync_copy(pos_hbm.at[pl.ds(base, TPW)], idx_v)
        pltpu.async_copy(outs_hbm.at[idx_v], rows_v, sem).wait()
        pltpu.sync_copy(rows_v, final_hbm.at[pl.ds(base, TPW)])

    return combine


def _combine(outs, pos):
    return _combine_kernel()(outs, pos)



def kernel(hidden_states, gate_w, w1, w3, w2):
    x = hidden_states.reshape(S, D)
    probs, pos, meta = _router(x, gate_w)
    xs = _dispatch(x, pos)
    outs = _experts(xs, w1, w3, w2, meta)
    final = _combine(outs, pos)
    return final.reshape(hidden_states.shape), probs

# --- scband reference (transcript-rebuilt; emitter-appended) ---
"""Pipeline reference for scband-sparse-moe-block-64510408785934 (READ-ONLY COPY).

The authoritative reference and input builder live on the scoring server;
editing this copy changes nothing except your own understanding.
"""

import jax, jax.numpy as jnp
import numpy as np

E = 8
TOP_K = 1
D = 1024
FF = 2048
B = 1
S = 2048


def setup_inputs(seed: int = 0) -> dict:
    key = jax.random.key(seed)
    ks = jax.random.split(key, 5)
    hidden_states = jax.random.normal(ks[0], (B, S, D), dtype=jnp.float32)
    gate_w = jax.random.normal(ks[1], (E, D), dtype=jnp.float32) * (1.0 / np.sqrt(D))
    w1 = jax.random.normal(ks[2], (E, FF, D), dtype=jnp.float32) * (1.0 / np.sqrt(D))
    w3 = jax.random.normal(ks[3], (E, FF, D), dtype=jnp.float32) * (1.0 / np.sqrt(D))
    w2 = jax.random.normal(ks[4], (E, D, FF), dtype=jnp.float32) * (1.0 / np.sqrt(FF))
    return {"hidden_states": hidden_states, "gate_w": gate_w, "w1": w1, "w3": w3, "w2": w2}


def reference(hidden_states, gate_w, w1, w3, w2):
    bsz, seqlen, dim = hidden_states.shape
    x = hidden_states.reshape(-1, dim)
    # gate: nn.Linear(hidden_dim, n_experts, bias=False)
    router_logits = x @ gate_w.T  # [T, E]
    routing_probs = jax.nn.softmax(router_logits.astype(jnp.float32), axis=-1)
    routing_weights, selected_experts = jax.lax.top_k(routing_probs, TOP_K)
    routing_weights = routing_weights / jnp.sum(routing_weights, axis=-1, keepdims=True)
    routing_weights = routing_weights.astype(hidden_states.dtype)
    final = jnp.zeros_like(x)
    for e in range(E):
        # combine weight for tokens routed to expert e (0 otherwise); mathematically
        # identical to the torch index_add_ dispatch with full capacity
        coef = jnp.sum(jnp.where(selected_experts == e, routing_weights, 0.0), axis=-1)  # [T]
        h = jax.nn.silu(x @ w1[e].T) * (x @ w3[e].T)  # GLUMLP
        out = h @ w2[e].T
        final = final + out * coef[:, None]
    final = final.reshape(bsz, seqlen, dim)
    return final, jax.nn.softmax(router_logits, axis=-1)

if __name__ == "__main__":
    import jax
    _d = setup_inputs()
    print(jax.jit(kernel)(*tuple(_d.values())))

</pallas_src>

<mosaic_0001>
#map = affine_map<(d0, d1) -> (0, 0)>
#map1 = affine_map<(d0, d1) -> (0)>
module attributes {stable_mosaic.version = 14 : i64} {
  func.func @dispatch(%arg0: i32, %arg1: i32, %arg2: memref<2048x1024xf32, #tpu.memory_space<hbm>>, %arg3: memref<2048xi32, #tpu.memory_space<hbm>>, %arg4: memref<3072x1024xf32, #tpu.memory_space<hbm>>, %arg5: memref<64xi32, #tpu.memory_space<vmem>>, %arg6: memref<64x1024xf32, #tpu.memory_space<vmem>>, %arg7: memref<!tpu.dma_semaphore, #tpu.memory_space<semaphore_mem>>) attributes {dimension_semantics = [#tpu.dimension_semantics<core_parallel>, #tpu.dimension_semantics<subcore_parallel>], iteration_bounds = array<i64: 2, 16>, scalar_prefetch = 0 : i64, scratch_operands = 3 : i64, tpu.core_type = #tpu.core_type<sc_vector_subcore>, window_params = [{transform_indices = #map}, {transform_indices = #map1}, {transform_indices = #map}]} {
    %mul3A = arith.constant 2 : i32
    %mul3A_0 = arith.muli %arg1, %mul3A : i32
    %add3A = arith.addi %mul3A_0, %arg0 : i32
    %mul3A_1 = arith.constant 64 : i32
    %mul3A_2 = arith.muli %add3A, %mul3A_1 : i32
    "tpu.region"() ({
      %run_scoped3A = tpu.sem_alloc : memref<!tpu.dma_semaphore, #tpu.memory_space<semaphore_mem>>
      %dma_start3A_7 = tpu.memref_slice %arg3[%mul3A_2] : memref<2048xi32, #tpu.memory_space<hbm>> -> memref<64xi32, #tpu.memory_space<hbm>>
      %dma_start3A_8 = tpu.memref_slice %arg3[%mul3A_2] : memref<2048xi32, #tpu.memory_space<hbm>> -> memref<64xi32, #tpu.memory_space<hbm>>
      tpu.enqueue_dma source(%dma_start3A_8 : memref<64xi32, #tpu.memory_space<hbm>>) target(%arg5 : memref<64xi32, #tpu.memory_space<vmem>>) target_semaphore(%run_scoped3A : memref<!tpu.dma_semaphore, #tpu.memory_space<semaphore_mem>>)
      %dma_wait3A_9 = tpu.memref_slice %arg3[%mul3A_2] : memref<2048xi32, #tpu.memory_space<hbm>> -> memref<64xi32, #tpu.memory_space<hbm>>
      %dma_wait3A_10 = tpu.memref_slice %arg3[%mul3A_2] : memref<2048xi32, #tpu.memory_space<hbm>> -> memref<64xi32, #tpu.memory_space<hbm>>
      tpu.wait_dma2 semaphore(%run_scoped3A : memref<!tpu.dma_semaphore, #tpu.memory_space<semaphore_mem>>) src(%dma_wait3A_10 : memref<64xi32, #tpu.memory_space<hbm>>) dst(%arg5 : memref<64xi32, #tpu.memory_space<vmem>>)
      tpu.yield
    }) : () -> ()
    "tpu.region"() ({
      %run_scoped3A = tpu.sem_alloc : memref<!tpu.dma_semaphore, #tpu.memory_space<semaphore_mem>>
      %dma_start3A_7 = arith.constant 0 : i32
      %dma_start3A_8 = tpu.memref_slice %arg2[%mul3A_2, %dma_start3A_7] : memref<2048x1024xf32, #tpu.memory_space<hbm>> -> memref<64x1024xf32, #tpu.memory_space<hbm>>
      %dma_start3A_9 = arith.constant 0 : i32
      %dma_start3A_10 = tpu.memref_slice %arg2[%mul3A_2, %dma_start3A_9] : memref<2048x1024xf32, #tpu.memory_space<hbm>> -> memref<64x1024xf32, #tpu.memory_space<hbm>>
      tpu.enqueue_dma source(%dma_start3A_10 : memref<64x1024xf32, #tpu.memory_space<hbm>>) target(%arg6 : memref<64x1024xf32, #tpu.memory_space<vmem>>) target_semaphore(%run_scoped3A : memref<!tpu.dma_semaphore, #tpu.memory_space<semaphore_mem>>)
      %dma_wait3A_11 = arith.constant 0 : i32
      %dma_wait3A_12 = tpu.memref_slice %arg2[%mul3A_2, %dma_wait3A_11] : memref<2048x1024xf32, #tpu.memory_space<hbm>> -> memref<64x1024xf32, #tpu.memory_space<hbm>>
      %dma_wait3A_13 = arith.constant 0 : i32
      %dma_wait3A_14 = tpu.memref_slice %arg2[%mul3A_2, %dma_wait3A_13] : memref<2048x1024xf32, #tpu.memory_space<hbm>> -> memref<64x1024xf32, #tpu.memory_space<hbm>>
      tpu.wait_dma2 semaphore(%run_scoped3A : memref<!tpu.dma_semaphore, #tpu.memory_space<semaphore_mem>>) src(%dma_wait3A_14 : memref<64x1024xf32, #tpu.memory_space<hbm>>) dst(%arg6 : memref<64x1024xf32, #tpu.memory_space<vmem>>)
      tpu.yield
    }) : () -> ()
    %dma_start3A = arith.constant 0 : i32
    %dma_start3A_3 = arith.constant 0 : i32
    %dma_start3A_4 = tpu.memref_slice %arg4[%dma_start3A, %dma_start3A_3] : memref<3072x1024xf32, #tpu.memory_space<hbm>> -> memref<3072x1024xf32, #tpu.memory_space<hbm>>
    tpu.enqueue_indirect_dma source(%arg6 : memref<64x1024xf32, #tpu.memory_space<vmem>>) target(%dma_start3A_4 : memref<3072x1024xf32, #tpu.memory_space<hbm>>) offsets(%arg5 : memref<64xi32, #tpu.memory_space<vmem>>) semaphore(%arg7 : memref<!tpu.dma_semaphore, #tpu.memory_space<semaphore_mem>>)
    %dma_wait3A = arith.constant 0 : i32
    %dma_wait3A_5 = arith.constant 0 : i32
    %dma_wait3A_6 = tpu.memref_slice %arg4[%dma_wait3A, %dma_wait3A_5] : memref<3072x1024xf32, #tpu.memory_space<hbm>> -> memref<3072x1024xf32, #tpu.memory_space<hbm>>
    tpu.wait_indirect_dma semaphore(%arg7 : memref<!tpu.dma_semaphore, #tpu.memory_space<semaphore_mem>>) src(%arg6 : memref<64x1024xf32, #tpu.memory_space<vmem>>) dst(%dma_wait3A_6 : memref<3072x1024xf32, #tpu.memory_space<hbm>>)
    return
  }
}

#map = affine_map<(d0, d1) -> (0, 0)>
#map1 = affine_map<(d0, d1) -> (0)>
module attributes {stable_mosaic.version = 14 : i64} {
  func.func @combine(%arg0: i32, %arg1: i32, %arg2: memref<3072x1024xf32, #tpu.memory_space<hbm>>, %arg3: memref<2048xi32, #tpu.memory_space<hbm>>, %arg4: memref<2048x1024xf32, #tpu.memory_space<hbm>>, %arg5: memref<64xi32, #tpu.memory_space<vmem>>, %arg6: memref<64x1024xf32, #tpu.memory_space<vmem>>, %arg7: memref<!tpu.dma_semaphore, #tpu.memory_space<semaphore_mem>>) attributes {dimension_semantics = [#tpu.dimension_semantics<core_parallel>, #tpu.dimension_semantics<subcore_parallel>], iteration_bounds = array<i64: 2, 16>, scalar_prefetch = 0 : i64, scratch_operands = 3 : i64, tpu.core_type = #tpu.core_type<sc_vector_subcore>, window_params = [{transform_indices = #map}, {transform_indices = #map1}, {transform_indices = #map}]} {
    %mul3A = arith.constant 2 : i32
    %mul3A_0 = arith.muli %arg1, %mul3A : i32
    %add3A = arith.addi %mul3A_0, %arg0 : i32
    %mul3A_1 = arith.constant 64 : i32
    %mul3A_2 = arith.muli %add3A, %mul3A_1 : i32
    "tpu.region"() ({
      %run_scoped3A = tpu.sem_alloc : memref<!tpu.dma_semaphore, #tpu.memory_space<semaphore_mem>>
      %dma_start3A_7 = tpu.memref_slice %arg3[%mul3A_2] : memref<2048xi32, #tpu.memory_space<hbm>> -> memref<64xi32, #tpu.memory_space<hbm>>
      %dma_start3A_8 = tpu.memref_slice %arg3[%mul3A_2] : memref<2048xi32, #tpu.memory_space<hbm>> -> memref<64xi32, #tpu.memory_space<hbm>>
      tpu.enqueue_dma source(%dma_start3A_8 : memref<64xi32, #tpu.memory_space<hbm>>) target(%arg5 : memref<64xi32, #tpu.memory_space<vmem>>) target_semaphore(%run_scoped3A : memref<!tpu.dma_semaphore, #tpu.memory_space<semaphore_mem>>)
      %dma_wait3A_9 = tpu.memref_slice %arg3[%mul3A_2] : memref<2048xi32, #tpu.memory_space<hbm>> -> memref<64xi32, #tpu.memory_space<hbm>>
      %dma_wait3A_10 = tpu.memref_slice %arg3[%mul3A_2] : memref<2048xi32, #tpu.memory_space<hbm>> -> memref<64xi32, #tpu.memory_space<hbm>>
      tpu.wait_dma2 semaphore(%run_scoped3A : memref<!tpu.dma_semaphore, #tpu.memory_space<semaphore_mem>>) src(%dma_wait3A_10 : memref<64xi32, #tpu.memory_space<hbm>>) dst(%arg5 : memref<64xi32, #tpu.memory_space<vmem>>)
      tpu.yield
    }) : () -> ()
    %dma_start3A = arith.constant 0 : i32
    %dma_start3A_3 = arith.constant 0 : i32
    %dma_start3A_4 = tpu.memref_slice %arg2[%dma_start3A, %dma_start3A_3] : memref<3072x1024xf32, #tpu.memory_space<hbm>> -> memref<3072x1024xf32, #tpu.memory_space<hbm>>
    tpu.enqueue_indirect_dma source(%dma_start3A_4 : memref<3072x1024xf32, #tpu.memory_space<hbm>>) target(%arg6 : memref<64x1024xf32, #tpu.memory_space<vmem>>) offsets(%arg5 : memref<64xi32, #tpu.memory_space<vmem>>) semaphore(%arg7 : memref<!tpu.dma_semaphore, #tpu.memory_space<semaphore_mem>>)
    %dma_wait3A = arith.constant 0 : i32
    %dma_wait3A_5 = arith.constant 0 : i32
    %dma_wait3A_6 = tpu.memref_slice %arg2[%dma_wait3A, %dma_wait3A_5] : memref<3072x1024xf32, #tpu.memory_space<hbm>> -> memref<3072x1024xf32, #tpu.memory_space<hbm>>
    tpu.wait_indirect_dma semaphore(%arg7 : memref<!tpu.dma_semaphore, #tpu.memory_space<semaphore_mem>>) src(%dma_wait3A_6 : memref<3072x1024xf32, #tpu.memory_space<hbm>>) dst(%arg6 : memref<64x1024xf32, #tpu.memory_space<vmem>>)
    "tpu.region"() ({
      %run_scoped3A = tpu.sem_alloc : memref<!tpu.dma_semaphore, #tpu.memory_space<semaphore_mem>>
      %dma_start3A_7 = arith.constant 0 : i32
      %dma_start3A_8 = tpu.memref_slice %arg4[%mul3A_2, %dma_start3A_7] : memref<2048x1024xf32, #tpu.memory_space<hbm>> -> memref<64x1024xf32, #tpu.memory_space<hbm>>
      %dma_start3A_9 = arith.constant 0 : i32
      %dma_start3A_10 = tpu.memref_slice %arg4[%mul3A_2, %dma_start3A_9] : memref<2048x1024xf32, #tpu.memory_space<hbm>> -> memref<64x1024xf32, #tpu.memory_space<hbm>>
      tpu.enqueue_dma source(%arg6 : memref<64x1024xf32, #tpu.memory_space<vmem>>) target(%dma_start3A_10 : memref<64x1024xf32, #tpu.memory_space<hbm>>) target_semaphore(%run_scoped3A : memref<!tpu.dma_semaphore, #tpu.memory_space<semaphore_mem>>)
      %dma_wait3A_11 = arith.constant 0 : i32
      %dma_wait3A_12 = tpu.memref_slice %arg4[%mul3A_2, %dma_wait3A_11] : memref<2048x1024xf32, #tpu.memory_space<hbm>> -> memref<64x1024xf32, #tpu.memory_space<hbm>>
      %dma_wait3A_13 = arith.constant 0 : i32
      %dma_wait3A_14 = tpu.memref_slice %arg4[%mul3A_2, %dma_wait3A_13] : memref<2048x1024xf32, #tpu.memory_space<hbm>> -> memref<64x1024xf32, #tpu.memory_space<hbm>>
      tpu.wait_dma2 semaphore(%run_scoped3A : memref<!tpu.dma_semaphore, #tpu.memory_space<semaphore_mem>>) src(%arg6 : memref<64x1024xf32, #tpu.memory_space<vmem>>) dst(%dma_wait3A_14 : memref<64x1024xf32, #tpu.memory_space<hbm>>)
      tpu.yield
    }) : () -> ()
    return
  }
}

module attributes {stable_mosaic.version = 14 : i64} {
  func.func @_experts_body(%arg0: i32, %arg1: i32, %arg2: memref<2x16xi32, #tpu.memory_space<smem>>, %arg3: memref<3072x1024xf32, #tpu.memory_space<vmem>>, %arg4: memref<1x512x1024xf32, #tpu.memory_space<vmem>>, %arg5: memref<1x512x1024xf32, #tpu.memory_space<vmem>>, %arg6: memref<1x1024x512xf32, #tpu.memory_space<vmem>>, %arg7: memref<3072x1024xf32, #tpu.memory_space<vmem>>) attributes {dimension_semantics = [#tpu.dimension_semantics<arbitrary>, #tpu.dimension_semantics<arbitrary>], iteration_bounds = array<i64: 8, 4>, scalar_prefetch = 1 : i64, scratch_operands = 0 : i64, tpu.core_type = #tpu.core_type<tc>, window_params = [{pipeline_mode = #tpu.pipeline_mode<synchronous>, transform_indices = @transform_0, window_bounds = array<i64: 3072, 1024>}, {transform_indices = @transform_1, window_bounds = array<i64: 1, 512, 1024>}, {transform_indices = @transform_2, window_bounds = array<i64: 1, 512, 1024>}, {transform_indices = @transform_3, window_bounds = array<i64: 1, 1024, 512>}, {pipeline_mode = #tpu.pipeline_mode<synchronous>, transform_indices = @transform_4, window_bounds = array<i64: 3072, 1024>}]} {
    %get3A = arith.constant 0 : index
    %get3A_0 = arith.index_cast %arg0 : i32 to index
    %get3A_1 = memref.load %arg2[%get3A, %get3A_0] : memref<2x16xi32, #tpu.memory_space<smem>>
    %multiple_of3A = tpu.assume_multiple %get3A_1, 128 : i32
    %get3A_2 = arith.constant 1 : index
    %get3A_3 = arith.index_cast %arg0 : i32 to index
    %get3A_4 = memref.load %arg2[%get3A_2, %get3A_3] : memref<2x16xi32, #tpu.memory_space<smem>>
    %get3A_5 = arith.constant 0 : index
    %get3A_6 = arith.constant 0 : index
    %get3A_7 = arith.constant 0 : index
    %get3A_8 = vector.load %arg4[%get3A_5, %get3A_6, %get3A_7] : memref<1x512x1024xf32, #tpu.memory_space<vmem>>, vector<1x512x1024xf32>
    %get3A_9 = vector.shape_cast %get3A_8 : vector<1x512x1024xf32> to vector<512x1024xf32>
    %get3A_10 = arith.constant 0 : index
    %get3A_11 = arith.constant 0 : index
    %get3A_12 = arith.constant 0 : index
    %get3A_13 = vector.load %arg5[%get3A_10, %get3A_11, %get3A_12] : memref<1x512x1024xf32, #tpu.memory_space<vmem>>, vector<1x512x1024xf32>
    %get3A_14 = vector.shape_cast %get3A_13 : vector<1x512x1024xf32> to vector<512x1024xf32>
    %get3A_15 = arith.constant 0 : index
    %get3A_16 = arith.constant 0 : index
    %get3A_17 = arith.constant 0 : index
    %get3A_18 = vector.load %arg6[%get3A_15, %get3A_16, %get3A_17] : memref<1x1024x512xf32, #tpu.memory_space<vmem>>, vector<1x1024x512xf32>
    %get3A_19 = vector.shape_cast %get3A_18 : vector<1x1024x512xf32> to vector<1024x512xf32>
    %while3A = arith.constant 0 : i32
    %while3A_20 = arith.constant 0 : i32
    %while3A_21 = arith.subi %get3A_4, %while3A : i32
    %while3A_22 = arith.addi %while3A, %while3A_21 : i32
    %while3A_23 = arith.constant 1 : i32
    %while3A_24 = arith.divsi %while3A_21, %while3A_23 : i32
    %while3A_25 = arith.muli %while3A_24, %while3A_23 : i32
    %while3A_26 = arith.addi %while3A, %while3A_25 : i32
    %while3A_27 = arith.constant 1 : i32
    %while3A_28 = scf.for %while3A_31 = %while3A to %while3A_26 step %while3A_27 iter_args(%while3A_32 = %while3A_20) -> (i32)  : i32 {
      %mul3A = arith.constant 128 : i32
      %mul3A_33 = arith.muli %while3A_31, %mul3A : i32
      %add3A = arith.addi %multiple_of3A, %mul3A_33 : i32
      %multiple_of3A_34 = tpu.assume_multiple %add3A, 128 : i32
      %get3A_35 = arith.index_cast %multiple_of3A_34 : i32 to index
      %get3A_36 = arith.constant 0 : index
      %get3A_37 = vector.load %arg3[%get3A_35, %get3A_36] : memref<3072x1024xf32, #tpu.memory_space<vmem>>, vector<128x1024xf32>
      %dot_general3A = arith.constant dense<0.000000e+00> : vector<128x512xf32>
      %dot_general3A_38 = tpu.matmul %get3A_37, %get3A_9, %dot_general3A {dimension_numbers = #tpu.dot_dimension_numbers<[1], [1], [0], [0], [0, 0, 1, 0], [], []>, transpose_lhs_hint = false} : vector<128x1024xf32>, vector<512x1024xf32>, vector<128x512xf32> -> vector<128x512xf32>
      %logistic3A = arith.negf %dot_general3A_38 : vector<128x512xf32>
      %logistic3A_39 = math.exp %logistic3A : vector<128x512xf32>
      %logistic3A_40 = arith.constant 1.000000e+00 : f32
      %logistic3A_41 = vector.broadcast %logistic3A_40 : f32 to vector<128x512xf32>
      %logistic3A_42 = arith.addf %logistic3A_41, %logistic3A_39 : vector<128x512xf32>
      %logistic3A_43 = arith.divf %logistic3A_41, %logistic3A_42 : vector<128x512xf32>
      %mul3A_44 = arith.mulf %dot_general3A_38, %logistic3A_43 : vector<128x512xf32>
      %dot_general3A_45 = arith.constant dense<0.000000e+00> : vector<128x512xf32>
      %dot_general3A_46 = tpu.matmul %get3A_37, %get3A_14, %dot_general3A_45 {dimension_numbers = #tpu.dot_dimension_numbers<[1], [1], [0], [0], [0, 0, 1, 0], [], []>, transpose_lhs_hint = false} : vector<128x1024xf32>, vector<512x1024xf32>, vector<128x512xf32> -> vector<128x512xf32>
      %mul3A_47 = arith.mulf %mul3A_44, %dot_general3A_46 : vector<128x512xf32>
      %dot_general3A_48 = arith.constant dense<0.000000e+00> : vector<128x1024xf32>
      %dot_general3A_49 = tpu.matmul %mul3A_47, %get3A_19, %dot_general3A_48 {dimension_numbers = #tpu.dot_dimension_numbers<[1], [1], [0], [0], [0, 0, 1, 0], [], []>, transpose_lhs_hint = false} : vector<128x512xf32>, vector<1024x512xf32>, vector<128x1024xf32> -> vector<128x1024xf32>
      %eq3A = arith.constant 0 : i32
      %eq3A_50 = arith.cmpi eq, %arg1, %eq3A : i32
      %get3A_51 = arith.index_cast %multiple_of3A_34 : i32 to index
      %get3A_52 = arith.constant 0 : index
      %get3A_53 = vector.load %arg7[%get3A_51, %get3A_52] : memref<3072x1024xf32, #tpu.memory_space<vmem>>, vector<128x1024xf32>
      %jit3A = arith.constant 0.000000e+00 : f32
      %broadcast_in_dim3A = vector.broadcast %jit3A : f32 to vector<128x1024xf32>
      %select_n3A = arith.select %eq3A_50, %broadcast_in_dim3A, %get3A_53 : vector<128x1024xf32>
      %add3A_54 = arith.addf %select_n3A, %dot_general3A_49 : vector<128x1024xf32>
      %swap3A = arith.index_cast %multiple_of3A_34 : i32 to index
      %swap3A_55 = arith.constant 0 : index
      %swap3A_56 = vector.load %arg7[%swap3A, %swap3A_55] : memref<3072x1024xf32, #tpu.memory_space<vmem>>, vector<128x1024xf32>
      tpu.vector_store %arg7[%swap3A, %swap3A_55], %add3A_54 {strides = array<i32>} : memref<3072x1024xf32, #tpu.memory_space<vmem>>, vector<128x1024xf32>,
      %while3A_57 = arith.constant 0 : i32
      scf.yield %while3A_57 : i32
    }
    %while3A_29 = arith.constant 1 : i32
    %while3A_30 = scf.for %while3A_31 = %while3A_26 to %while3A_22 step %while3A_29 iter_args(%while3A_32 = %while3A_28) -> (i32)  : i32 {
      %mul3A = arith.constant 128 : i32
      %mul3A_33 = arith.muli %while3A_31, %mul3A : i32
      %add3A = arith.addi %multiple_of3A, %mul3A_33 : i32
      %multiple_of3A_34 = tpu.assume_multiple %add3A, 128 : i32
      %get3A_35 = arith.index_cast %multiple_of3A_34 : i32 to index
      %get3A_36 = arith.constant 0 : index
      %get3A_37 = vector.load %arg3[%get3A_35, %get3A_36] : memref<3072x1024xf32, #tpu.memory_space<vmem>>, vector<128x1024xf32>
      %dot_general3A = arith.constant dense<0.000000e+00> : vector<128x512xf32>
      %dot_general3A_38 = tpu.matmul %get3A_37, %get3A_9, %dot_general3A {dimension_numbers = #tpu.dot_dimension_numbers<[1], [1], [0], [0], [0, 0, 1, 0], [], []>, transpose_lhs_hint = false} : vector<128x1024xf32>, vector<512x1024xf32>, vector<128x512xf32> -> vector<128x512xf32>
      %logistic3A = arith.negf %dot_general3A_38 : vector<128x512xf32>
      %logistic3A_39 = math.exp %logistic3A : vector<128x512xf32>
      %logistic3A_40 = arith.constant 1.000000e+00 : f32
      %logistic3A_41 = vector.broadcast %logistic3A_40 : f32 to vector<128x512xf32>
      %logistic3A_42 = arith.addf %logistic3A_41, %logistic3A_39 : vector<128x512xf32>
      %logistic3A_43 = arith.divf %logistic3A_41, %logistic3A_42 : vector<128x512xf32>
      %mul3A_44 = arith.mulf %dot_general3A_38, %logistic3A_43 : vector<128x512xf32>
      %dot_general3A_45 = arith.constant dense<0.000000e+00> : vector<128x512xf32>
      %dot_general3A_46 = tpu.matmul %get3A_37, %get3A_14, %dot_general3A_45 {dimension_numbers = #tpu.dot_dimension_numbers<[1], [1], [0], [0], [0, 0, 1, 0], [], []>, transpose_lhs_hint = false} : vector<128x1024xf32>, vector<512x1024xf32>, vector<128x512xf32> -> vector<128x512xf32>
      %mul3A_47 = arith.mulf %mul3A_44, %dot_general3A_46 : vector<128x512xf32>
      %dot_general3A_48 = arith.constant dense<0.000000e+00> : vector<128x1024xf32>
      %dot_general3A_49 = tpu.matmul %mul3A_47, %get3A_19, %dot_general3A_48 {dimension_numbers = #tpu.dot_dimension_numbers<[1], [1], [0], [0], [0, 0, 1, 0], [], []>, transpose_lhs_hint = false} : vector<128x512xf32>, vector<1024x512xf32>, vector<128x1024xf32> -> vector<128x1024xf32>
      %eq3A = arith.constant 0 : i32
      %eq3A_50 = arith.cmpi eq, %arg1, %eq3A : i32
      %get3A_51 = arith.index_cast %multiple_of3A_34 : i32 to index
      %get3A_52 = arith.constant 0 : index
      %get3A_53 = vector.load %arg7[%get3A_51, %get3A_52] : memref<3072x1024xf32, #tpu.memory_space<vmem>>, vector<128x1024xf32>
      %jit3A = arith.constant 0.000000e+00 : f32
      %broadcast_in_dim3A = vector.broadcast %jit3A : f32 to vector<128x1024xf32>
      %select_n3A = arith.select %eq3A_50, %broadcast_in_dim3A, %get3A_53 : vector<128x1024xf32>
      %add3A_54 = arith.addf %select_n3A, %dot_general3A_49 : vector<128x1024xf32>
      %swap3A = arith.index_cast %multiple_of3A_34 : i32 to index
      %swap3A_55 = arith.constant 0 : index
      %swap3A_56 = vector.load %arg7[%swap3A, %swap3A_55] : memref<3072x1024xf32, #tpu.memory_space<vmem>>, vector<128x1024xf32>
      tpu.vector_store %arg7[%swap3A, %swap3A_55], %add3A_54 {strides = array<i32>} : memref<3072x1024xf32, #tpu.memory_space<vmem>>, vector<128x1024xf32>,
      %while3A_57 = arith.constant 0 : i32
      scf.yield %while3A_57 : i32
    }
    return
  }
  func.func @transform_0(%arg0: i32, %arg1: i32, %arg2: memref<2x16xi32, #tpu.memory_space<smem>>) -> (i32, i32) {
    %c0_i32 = arith.constant 0 : i32
    %c0_i32_0 = arith.constant 0 : i32
    %c0_i32_1 = arith.constant 0 : i32
    return %c0_i32, %c0_i32_0 : i32, i32
  }
  func.func @transform_1(%arg0: i32, %arg1: i32, %arg2: memref<2x16xi32, #tpu.memory_space<smem>>) -> (i32, i32, i32) {
    %c0_i32 = arith.constant 0 : i32
    %c0_i32_0 = arith.constant 0 : i32
    return %arg0, %arg1, %c0_i32 : i32, i32, i32
  }
  func.func @transform_2(%arg0: i32, %arg1: i32, %arg2: memref<2x16xi32, #tpu.memory_space<smem>>) -> (i32, i32, i32) {
    %c0_i32 = arith.constant 0 : i32
    %c0_i32_0 = arith.constant 0 : i32
    return %arg0, %arg1, %c0_i32 : i32, i32, i32
  }
  func.func @transform_3(%arg0: i32, %arg1: i32, %arg2: memref<2x16xi32, #tpu.memory_space<smem>>) -> (i32, i32, i32) {
    %c0_i32 = arith.constant 0 : i32
    %c0_i32_0 = arith.constant 0 : i32
    return %arg0, %c0_i32, %arg1 : i32, i32, i32
  }
  func.func @transform_4(%arg0: i32, %arg1: i32, %arg2: memref<2x16xi32, #tpu.memory_space<smem>>) -> (i32, i32) {
    %c0_i32 = arith.constant 0 : i32
    %c0_i32_0 = arith.constant 0 : i32
    %c0_i32_1 = arith.constant 0 : i32
    return %c0_i32, %c0_i32_0 : i32, i32
  }
}

module attributes {stable_mosaic.version = 14 : i64} {
  func.func @_router_body(%arg0: memref<2048x1024xf32, #tpu.memory_space<vmem>>, %arg1: memref<8x1024xf32, #tpu.memory_space<vmem>>, %arg2: memref<2048x8xf32, #tpu.memory_space<vmem>>, %arg3: memref<2048xi32, #tpu.memory_space<vmem>>, %arg4: memref<2x16xi32, #tpu.memory_space<vmem>>, %arg5: memref<2048x8xf32, #tpu.memory_space<vmem>>) attributes {dimension_semantics = [], scalar_prefetch = 0 : i64, scratch_operands = 1 : i64, tpu.core_type = #tpu.core_type<tc>} {
    %get3A = arith.constant 0 : index
    %get3A_0 = arith.constant 0 : index
    %get3A_1 = vector.load %arg0[%get3A, %get3A_0] : memref<2048x1024xf32, #tpu.memory_space<vmem>>, vector<2048x1024xf32>
    %get3A_2 = arith.constant 0 : index
    %get3A_3 = arith.constant 0 : index
    %get3A_4 = vector.load %arg1[%get3A_2, %get3A_3] : memref<8x1024xf32, #tpu.memory_space<vmem>>, vector<8x1024xf32>
    %dot_general3A = arith.constant dense<0.000000e+00> : vector<2048x8xf32>
    %dot_general3A_5 = tpu.matmul %get3A_1, %get3A_4, %dot_general3A {dimension_numbers = #tpu.dot_dimension_numbers<[1], [1], [0], [0], [0, 0, 1, 0], [], []>, transpose_lhs_hint = false} : vector<2048x1024xf32>, vector<8x1024xf32>, vector<2048x8xf32> -> vector<2048x8xf32>
    %reduce_max3A = arith.constant dense<0xFF800000> : vector<2048xf32>
    %reduce_max3A_6 = vector.multi_reduction <maximumf>, %dot_general3A_5, %reduce_max3A [1] : vector<2048x8xf32> to vector<2048xf32>
    %max3A = arith.constant 0xFF800000 : f32
    %max3A_7 = vector.broadcast %max3A : f32 to vector<2048xf32>
    %max3A_8 = arith.maximumf %max3A_7, %reduce_max3A_6 : vector<2048xf32>
    %broadcast_in_dim3A = vector.shape_cast %max3A_8 : vector<2048xf32> to vector<2048x1xf32>
    %sub3A = vector.broadcast %broadcast_in_dim3A : vector<2048x1xf32> to vector<2048x8xf32>
    %sub3A_9 = arith.subf %dot_general3A_5, %sub3A : vector<2048x8xf32>
    %exp3A = math.exp %sub3A_9 : vector<2048x8xf32>
    %reduce_sum3A = arith.constant dense<0.000000e+00> : vector<2048xf32>
    %reduce_sum3A_10 = vector.multi_reduction <add>, %exp3A, %reduce_sum3A [1] : vector<2048x8xf32> to vector<2048xf32>
    %broadcast_in_dim3A_11 = vector.shape_cast %reduce_sum3A_10 : vector<2048xf32> to vector<2048x1xf32>
    %div3A = vector.broadcast %broadcast_in_dim3A_11 : vector<2048x1xf32> to vector<2048x8xf32>
    %div3A_12 = arith.divf %exp3A, %div3A : vector<2048x8xf32>
    %swap3A = arith.constant 0 : index
    %swap3A_13 = arith.constant 0 : index
    %swap3A_14 = vector.load %arg2[%swap3A, %swap3A_13] : memref<2048x8xf32, #tpu.memory_space<vmem>>, vector<2048x8xf32>
    tpu.vector_store %arg2[%swap3A, %swap3A_13], %div3A_12 {strides = array<i32>} : memref<2048x8xf32, #tpu.memory_space<vmem>>, vector<2048x8xf32>,
    %reduce_max3A_15 = arith.constant dense<0xFF800000> : vector<2048xf32>
    %reduce_max3A_16 = vector.multi_reduction <maximumf>, %dot_general3A_5, %reduce_max3A_15 [1] : vector<2048x8xf32> to vector<2048xf32>
    %broadcast_in_dim3A_17 = vector.shape_cast %reduce_max3A_16 : vector<2048xf32> to vector<2048x1xf32>
    %iota3A = tpu.iota {dimensions = array<i32: 1>} : vector<2048x8xi32>
    %ge3A = vector.broadcast %broadcast_in_dim3A_17 : vector<2048x1xf32> to vector<2048x8xf32>
    %ge3A_18 = arith.cmpf oge, %dot_general3A_5, %ge3A : vector<2048x8xf32>
    %jit3A = arith.constant 8 : i32
    %broadcast_in_dim3A_19 = vector.broadcast %jit3A : i32 to vector<2048x8xi32>
    %select_n3A = arith.select %ge3A_18, %iota3A, %broadcast_in_dim3A_19 : vector<2048x8xi1>, vector<2048x8xi32>
    %reduce_min3A = arith.constant dense<2147483647> : vector<2048xi32>
    %reduce_min3A_20 = vector.multi_reduction <minsi>, %select_n3A, %reduce_min3A [1] : vector<2048x8xi32> to vector<2048xi32>
    %broadcast_in_dim3A_21 = vector.shape_cast %reduce_min3A_20 : vector<2048xi32> to vector<2048x1xi32>
    %eq3A = vector.broadcast %broadcast_in_dim3A_21 : vector<2048x1xi32> to vector<2048x8xi32>
    %eq3A_22 = arith.cmpi eq, %eq3A, %iota3A : vector<2048x8xi32>
    %convert_element_type3A = arith.extui %eq3A_22 : vector<2048x8xi1> to vector<2048x8xi32>
    %convert_element_type3A_23 = arith.sitofp %convert_element_type3A : vector<2048x8xi32> to vector<2048x8xf32>
    %swap3A_24 = arith.constant 0 : index
    %swap3A_25 = arith.constant 0 : index
    %swap3A_26 = vector.load %arg5[%swap3A_24, %swap3A_25] : memref<2048x8xf32, #tpu.memory_space<vmem>>, vector<2048x8xf32>
    tpu.vector_store %arg5[%swap3A_24, %swap3A_25], %convert_element_type3A_23 {strides = array<i32>} : memref<2048x8xf32, #tpu.memory_space<vmem>>, vector<2048x8xf32>,
    %reduce_sum3A_27 = arith.constant dense<0.000000e+00> : vector<8xf32>
    %reduce_sum3A_28 = vector.multi_reduction <add>, %convert_element_type3A_23, %reduce_sum3A_27 [0] : vector<2048x8xf32> to vector<8xf32>
    %broadcast_in_dim3A_29 = vector.shape_cast %reduce_sum3A_28 : vector<8xf32> to vector<1x8xf32>
    %div3A_30 = arith.constant 1.280000e+02 : f32
    %div3A_31 = vector.broadcast %div3A_30 : f32 to vector<1x8xf32>
    %div3A_32 = arith.divf %broadcast_in_dim3A_29, %div3A_31 : vector<1x8xf32>
    %ceil3A = math.ceil %div3A_32 : vector<1x8xf32>
    %mul3A = arith.constant 1.280000e+02 : f32
    %mul3A_33 = vector.broadcast %mul3A : f32 to vector<1x8xf32>
    %mul3A_34 = arith.mulf %ceil3A, %mul3A_33 : vector<1x8xf32>
    %iota3A_35 = tpu.iota {dimensions = array<i32: 0>} : vector<8x8xi32>
    %iota3A_36 = tpu.iota {dimensions = array<i32: 1>} : vector<8x8xi32>
    %lt3A = arith.cmpi slt, %iota3A_35, %iota3A_36 : vector<8x8xi32>
    %convert_element_type3A_37 = arith.extui %lt3A : vector<8x8xi1> to vector<8x8xi32>
    %convert_element_type3A_38 = arith.sitofp %convert_element_type3A_37 : vector<8x8xi32> to vector<8x8xf32>
    %dot_general3A_39 = arith.constant dense<0.000000e+00> : vector<1x8xf32>
    %dot_general3A_40 = tpu.matmul %mul3A_34, %convert_element_type3A_38, %dot_general3A_39 {dimension_numbers = #tpu.dot_dimension_numbers<[1], [0], [0], [1], [0, 0, 1, 1], [], []>, transpose_lhs_hint = false} : vector<1x8xf32>, vector<8x8xf32>, vector<1x8xf32> -> vector<1x8xf32>
    %iota3A_41 = tpu.iota {dimensions = array<i32: 0>} : vector<256x256xi32>
    %iota3A_42 = tpu.iota {dimensions = array<i32: 1>} : vector<256x256xi32>
    %gt3A = arith.cmpi sgt, %iota3A_41, %iota3A_42 : vector<256x256xi32>
    %convert_element_type3A_43 = arith.extui %gt3A : vector<256x256xi1> to vector<256x256xi32>
    %convert_element_type3A_44 = arith.sitofp %convert_element_type3A_43 : vector<256x256xi32> to vector<256x256xf32>
    %broadcast_in_dim3A_45 = arith.constant 0.000000e+00 : f32
    %broadcast_in_dim3A_46 = vector.broadcast %broadcast_in_dim3A_45 : f32 to vector<1x8xf32>
    %scan3A = arith.constant 0 : i32
    %scan3A_47 = arith.constant 8 : i32
    %scan3A_48 = arith.addi %scan3A, %scan3A_47 : i32
    %scan3A_49 = arith.constant 1 : i32
    %scan3A_50 = scf.for %scan3A_67 = %scan3A to %scan3A_48 step %scan3A_49 iter_args(%scan3A_68 = %broadcast_in_dim3A_46) -> (vector<1x8xf32>)  : i32 {
      %mul3A_69 = arith.constant 256 : i32
      %mul3A_70 = arith.muli %scan3A_67, %mul3A_69 : i32
      %get3A_71 = arith.index_cast %mul3A_70 : i32 to index
      %get3A_72 = arith.constant 0 : index
      %get3A_73 = vector.load %arg5[%get3A_71, %get3A_72] : memref<2048x8xf32, #tpu.memory_space<vmem>>, vector<256x8xf32>
      %dot_general3A_74 = arith.constant dense<0.000000e+00> : vector<256x8xf32>
      %dot_general3A_75 = tpu.matmul %convert_element_type3A_44, %get3A_73, %dot_general3A_74 {dimension_numbers = #tpu.dot_dimension_numbers<[1], [0], [0], [1], [0, 0, 1, 1], [], []>, transpose_lhs_hint = false} : vector<256x256xf32>, vector<256x8xf32>, vector<256x8xf32> -> vector<256x8xf32>
      %add3A = vector.broadcast %scan3A_68 : vector<1x8xf32> to vector<256x8xf32>
      %add3A_76 = arith.addf %dot_general3A_75, %add3A : vector<256x8xf32>
      %add3A_77 = vector.broadcast %dot_general3A_40 : vector<1x8xf32> to vector<256x8xf32>
      %add3A_78 = arith.addf %add3A_76, %add3A_77 : vector<256x8xf32>
      %mul3A_79 = arith.mulf %add3A_78, %get3A_73 : vector<256x8xf32>
      %reduce_sum3A_80 = arith.constant dense<0.000000e+00> : vector<256xf32>
      %reduce_sum3A_81 = vector.multi_reduction <add>, %mul3A_79, %reduce_sum3A_80 [1] : vector<256x8xf32> to vector<256xf32>
      %convert_element_type3A_82 = arith.fptosi %reduce_sum3A_81 : vector<256xf32> to vector<256xi32>
      %mul3A_83 = arith.constant 256 : i32
      %mul3A_84 = arith.muli %scan3A_67, %mul3A_83 : i32
      %swap3A_85 = arith.index_cast %mul3A_84 : i32 to index
      %swap3A_86 = vector.load %arg3[%swap3A_85] : memref<2048xi32, #tpu.memory_space<vmem>>, vector<256xi32>
      tpu.vector_store %arg3[%swap3A_85], %convert_element_type3A_82 {strides = array<i32>} : memref<2048xi32, #tpu.memory_space<vmem>>, vector<256xi32>,
      %reduce_sum3A_87 = arith.constant dense<0.000000e+00> : vector<8xf32>
      %reduce_sum3A_88 = vector.multi_reduction <add>, %get3A_73, %reduce_sum3A_87 [0] : vector<256x8xf32> to vector<8xf32>
      %broadcast_in_dim3A_89 = vector.shape_cast %reduce_sum3A_88 : vector<8xf32> to vector<1x8xf32>
      %add3A_90 = arith.addf %scan3A_68, %broadcast_in_dim3A_89 : vector<1x8xf32>
      scf.yield %add3A_90 : vector<1x8xf32>
    }
    %scan3A_51 = arith.constant 8 : i32
    %div3A_52 = arith.constant 1.280000e+02 : f32
    %div3A_53 = vector.broadcast %div3A_52 : f32 to vector<1x8xf32>
    %div3A_54 = arith.divf %mul3A_34, %div3A_53 : vector<1x8xf32>
    %jit3A_55 = arith.constant 0 : i32
    %convert_element_type3A_56 = arith.sitofp %jit3A_55 : i32 to f32
    %pad3A = vector.broadcast %convert_element_type3A_56 : f32 to vector<1x8xf32>
    %pad3A_57 = tpu.concatenate %dot_general3A_40, %pad3A in 1 : vector<1x8xf32>, vector<1x8xf32> -> vector<1x16xf32>
    %convert_element_type3A_58 = arith.fptosi %pad3A_57 : vector<1x16xf32> to vector<1x16xi32>
    %jit3A_59 = arith.constant 0 : i32
    %convert_element_type3A_60 = arith.sitofp %jit3A_59 : i32 to f32
    %pad3A_61 = vector.broadcast %convert_element_type3A_60 : f32 to vector<1x8xf32>
    %pad3A_62 = tpu.concatenate %div3A_54, %pad3A_61 in 1 : vector<1x8xf32>, vector<1x8xf32> -> vector<1x16xf32>
    %convert_element_type3A_63 = arith.fptosi %pad3A_62 : vector<1x16xf32> to vector<1x16xi32>
    %concatenate3A = tpu.concatenate %convert_element_type3A_58, %convert_element_type3A_63 in 0 : vector<1x16xi32>, vector<1x16xi32> -> vector<2x16xi32>
    %swap3A_64 = arith.constant 0 : index
    %swap3A_65 = arith.constant 0 : index
    %swap3A_66 = vector.load %arg4[%swap3A_64, %swap3A_65] : memref<2x16xi32, #tpu.memory_space<vmem>>, vector<2x16xi32>
    tpu.vector_store %arg4[%swap3A_64, %swap3A_65], %concatenate3A {strides = array<i32>} : memref<2x16xi32, #tpu.memory_space<vmem>>, vector<2x16xi32>,
    return
  }
}

</mosaic_0001>

<sc_bundles>
// kernel: kernel.6.cloned.1.call-start
scs
__scs_entry_jumppad:
0x0: {  	(pc) =	sbr.rel $0x88, $3  }
0x1: {  	(tag) =	ssettag $0x0;
	lr =	simm.s32 $0x1  }
0x2: {  	[smem:$0x3F9C] =	sst lr;
	_ =	strace $0xD0000000  }
0x3: {  	_ = 	snop  }
0x4: {  	_ = 	snop  }
0x5: {  	_ = 	snop  }
0x6: {  	_ = 	snop  }
0x7: {  	_ = 	snop  }
__scs_overlays_trampoline_lowered:
0x8: {  	[smem:$0x3FAB] =	sst s0  }
0x9: {  	[smem:$0x3FAC] =	sst s1  }
0xa: {  	[smem:$0x3FAD] =	sst s2  }
0xb: {  	[smem:$0x3FAE] =	sst s3  }
0xc: {  	[smem:$0x3FAF] =	sst s4  }
0xd: {  	[smem:$0x3FB0] =	sst s5  }
0xe: {  	[smem:$0x3FB1] =	sst s6  }
0xf: {  	[smem:$0x3FB2] =	sst s7  }
0x10: {  	[smem:$0x3FB3] =	sst s8  }
0x11: {  	[smem:$0x3FB4] =	sst s9;
	s0 =	simm.s32 @!p0 $0x0  }
0x12: {  	s1 =	sld [smem:$0x3F9A];
	s0 =	simm.s32 @p0 $0x1  }
0x13: {  	[smem:$0x3FB5] =	sst s0;
	s0 =	simm.s32 @!p1 $0x0  }
0x14: {  	s2 =	sld [smem:$0x3F99];
	s0 =	simm.s32 @p1 $0x1  }
0x15: {  	[smem:$0x3FB6] =	sst s0;
	s0 =	simm.s32 @!p2 $0x0  }
0x16: {  	s3 =	sld [smem:$0x3FDB];
	s0 =	simm.s32 @p2 $0x1  }
0x17: {  	s4 =	simm.s32 $0x1BF5;
	[smem:$0x3FB8] =	sst s0  }
0x18: {  	s0 =	sld [smem:$0x3F9B];
	_ =	swait.ge [sflag:s4], $0x0  }
0x19: {  	s7 =	sld [smem:$0x3F9C]  }
0x1a: {  	s8 =	sadd.s32 $0xFFFFE003, lr  }
0x1b: {  	s9 =	sadd.s32 $0xFFFFFEF7, lr;
	s5 =	simm.s32 $0xFFFFFFFF;
	p2 =	slt.u32 s8, $0xFFFFF086  }
0x1c: {  	p1 =	slt.u32 s9, $0xF7A;
	s5 =	simm.s32 @!p2 $0x0  }
0x1d: {  	s5 =	simm.s32 @p1 $0x1;
	p0 =	seq.s32 s7, s2  }
0x1e: {  	s7 =	smul.u32 @!p0 $0xF7A, s2;
	p2 =	seq.s32 @!p0 s5, $0x0  }
0x1f: {  	s9 =	smul.u32 $0xF7A, s1;
	s8 =	simm.s32 @!p0 $0x1BF5;
	p2 =	por !p2, p0  }
0x20: {  	[sflag:s8] =	ssyncset.s32 @!p0 $0xFFFFF086;
	s6 =	sadd.s32 @!p0 s3, s7;
	s7 =	simm.s32 @!p0 $0x108  }
0x21: {  	s3 =	sadd.s32 s3, s9;
	s6 =	sadd.s32 @!p0 $0x88, s6;
	s7 =	simm.s32 @p2 $0x1082  }
0x22: {  	[simem:s7], [sflag:s8] =	dma.local @!p0 [hbm:s6], $0xF7A  }
0x23: {  	s9 =	sor.u32 $0xD0000000, s2;
	s6 =	simm.s32 $0x108;
	_ =	swait.ge @!p0 [sflag:s8], $0x0  }
0x24: {  	s3 =	sadd.s32 $0x88, s3;
	s6 =	simm.s32 @!p1 $0x1082;
	[sflag:s4] =	ssyncset.s32 $0xFFFFF086  }
0x25: {  	[simem:s6], [sflag:s4] =	dma.local [hbm:s3], $0xF7A  }
0x26: {  	[smem:$0x3F9C] =	sst s1;
	(tag) =	ssettag s2;
	_ =	strace s9  }
0x27: {  	s1 =	sld [smem:$0x3FAC]  }
0x28: {  	s2 =	sld [smem:$0x3FAD]  }
0x29: {  	s4 =	sld [smem:$0x3FAF]  }
0x2a: {  	p0 =	seq.s32 s5, $0x0;
	s5 =	sld [smem:$0x3FB0]  }
0x2b: {  	s6 =	sld [smem:$0x3FB1]  }
0x2c: {  	s7 =	sld [smem:$0x3FB2]  }
0x2d: {  	s3 =	simm.s32 $0x108;
	s8 =	sld [smem:$0x3FB3]  }
0x2e: {  	s3 =	simm.s32 @!p0 $0x1082;
	s9 =	sld [smem:$0x3FB4]  }
0x2f: {  	lr =	sadd.s32 s0, s3;
	s0 =	sld [smem:$0x3FAB]  }
0x30: {  	s3 =	sld [smem:$0x3FAE]  }
0x31: {  	[smem:$0x3FB7] =	sst s10  }
0x32: {  	s10 =	sld [smem:$0x3FB5];
	_ =	sdelay $0x3  }
0x33: {  	p0 =	seq.s32 s10, $0x1;
	s10 =	sld [smem:$0x3FB7];
	_ =	sdelay $0x3  }
0x34: {  	[smem:$0x3FB7] =	sst s10  }
0x35: {  	s10 =	sld [smem:$0x3FB6];
	_ =	sdelay $0x3  }
0x36: {  	p1 =	seq.s32 s10, $0x1;
	s10 =	sld [smem:$0x3FB7];
	_ =	sdelay $0x3  }
0x37: {  	[smem:$0x3FB7] =	sst s10  }
0x38: {  	s10 =	sld [smem:$0x3FB8]  }
0x39: {  	_ = 	snop;
	(pc) =	sbr.ind lr, $3  }
0x3a: {  	_ = 	snop  }
0x3b: {  	_ = 	snop  }
0x3c: {  	p2 =	seq.s32 s10, $0x1;
	s10 =	sld [smem:$0x3FB7]  }
0x3d: {  	_ =	shalt  }
0x3e: {  	_ =	shalt  }
0x3f: {  	_ =	shalt  }
0x40: {  	_ =	shalt  }
0x41: {  	_ =	shalt  }
0x42: {  	_ =	shalt  }
0x43: {  	_ =	shalt  }
0x44: {  	_ =	shalt  }
0x45: {  	_ =	shalt  }
0x46: {  	_ =	shalt  }
0x47: {  	_ =	shalt  }
0x48: {  	_ =	shalt  }
0x49: {  	_ =	shalt  }
0x4a: {  	_ =	shalt  }
0x4b: {  	_ =	shalt  }
0x4c: {  	_ =	shalt  }
0x4d: {  	_ =	shalt  }
0x4e: {  	_ =	shalt  }
0x4f: {  	_ =	shalt  }
0x50: {  	_ =	shalt  }
0x51: {  	_ =	shalt  }
0x52: {  	_ =	shalt  }
0x53: {  	_ =	shalt  }
0x54: {  	_ =	shalt  }
0x55: {  	_ =	shalt  }
0x56: {  	_ =	shalt  }
0x57: {  	_ =	shalt  }
0x58: {  	_ =	shalt  }
0x59: {  	_ =	shalt  }
0x5a: {  	_ =	shalt  }
0x5b: {  	_ =	shalt  }
0x5c: {  	_ =	shalt  }
0x5d: {  	_ =	shalt  }
0x5e: {  	_ =	shalt  }
0x5f: {  	_ =	shalt  }
0x60: {  	_ =	shalt  }
0x61: {  	_ =	shalt  }
0x62: {  	_ =	shalt  }
0x63: {  	_ =	shalt  }
0x64: {  	_ =	shalt  }
0x65: {  	_ =	shalt  }
0x66: {  	_ =	shalt  }
0x67: {  	_ =	shalt  }
0x68: {  	_ =	shalt  }
0x69: {  	_ =	shalt  }
0x6a: {  	_ =	shalt  }
0x6b: {  	_ =	shalt  }
0x6c: {  	_ =	shalt  }
0x6d: {  	_ =	shalt  }
0x6e: {  	_ =	shalt  }
0x6f: {  	_ =	shalt  }
0x70: {  	_ =	shalt  }
0x71: {  	_ =	shalt  }
0x72: {  	_ =	shalt  }
0x73: {  	_ =	shalt  }
0x74: {  	_ =	shalt  }
0x75: {  	_ =	shalt  }
0x76: {  	_ =	shalt  }
0x77: {  	_ =	shalt  }
0x78: {  	_ =	shalt  }
0x79: {  	_ =	shalt  }
0x7a: {  	_ =	shalt  }
0x7b: {  	_ =	shalt  }
0x7c: {  	_ =	shalt  }
0x7d: {  	_ =	shalt  }
0x7e: {  	_ =	shalt  }
0x7f: {  	_ =	shalt  }
0x80: {  	_ =	shalt  }
0x81: {  	_ =	shalt  }
0x82: {  	_ =	shalt  }
0x83: {  	_ =	shalt  }
0x84: {  	_ =	shalt  }
0x85: {  	_ =	shalt  }
0x86: {  	_ =	shalt  }
0x87: {  	_ =	shalt  }
.Lfunc_end0:
.L_simem_size_0:
called_computation_lowered:
.L_overlay_start_0:
0x88: {  	s2 =	sld [smem:$0x3FD9]  }
0x89: {  	s3 =	sld [smem:$0x3FFE];
	_ =	sdelay $0x1  }
0x8a: {  	s1 =	srdreg.scid  }
0x8b: {  	s0 =	sand.u32 $0x1, s1  }
0x8c: {  	s17 =	sshll.u32 s0, $0xA;
	s2 =	sadd.s32 s3, s2  }
0x8d: {  	s2 =	sadd.s32 s2, s17  }
0x8e: {  	[smem:$0x3FC3] =	sst s2  }
0x8f: {  	_ = 	snop  }
0x90: {  	s2 =	sld [smem:$0x3FC9];
	(tm) =	ssettm $0x1  }
0x91: {  	s18 =	sld [smem:$0x3FFB];
	_ =	sdelay $0x3  }
0x92: {  	_ =	strace s18  }
0x93: {  	s3 =	sld [smem:$0x3FFC];
	_ =	sdelay $0x3  }
0x94: {  	_ =	strace s3  }
0x95: {  	s3 =	sld [smem:$0x3FFD];
	_ =	sdelay $0x3  }
0x96: {  	_ =	strace s3  }
0x97: {  	_ =	strace $0x8FFFFFFF  }
0x98: {  	s19 =	sld [smem:$0x3FDB];
	_ =	sdelay $0x1  }
0x99: {  	s4 =	simm.s32 $_scs_section_size  }
0x9a: {  	s5 =	simm.s32 $_size__tile_overlayer_lowered;
	s6 =	simm.s32 $_tile_overlayer_lowered  }
0x9b: {  	s22 =	simm.s32 $0x1BFF;
	s21 =	sshll.u32 s6, $0x1;
	s3 =	sadd.s32 s4, s19  }
0x9c: {  	s7 =	simm.s32 $0x0;
	s20 =	sshll.u32 s5, $0x1;
	s5 =	sadd.s32 s21, s3  }
0x9d: {  	[timem:s7], [sflag:s22] =	dma.local [hbm:s5], s20  }
0x9e: {  	_ =	swait.ge [sflag:s22], s20  }
0x9f: {  	s4 =	ssub.s32 $0x0, s20;
	[sflag:s22] =	ssyncset.done $0x0  }
0xa0: {  	[sflag:s22] =	ssyncadd.s32 s4;
	_ =	sdelay $0x1  }
0xa1: {  	s23 =	simm.s32 $0x1B8B  }
0xa2: {  	_ =	swait.ge [sflag:s23], $0x1  }
0xa3: {  	[sflag:s23] =	ssyncset.done $0x0  }
0xa4: {  	s25 =	simm.s32 $0x1B8E;
	s24 =	sld [smem:$0x3FFE];
	[sflag:s23] =	ssyncadd.s32 $0xFFFFFFFF  }
0xa5: {  	s26 =	simm.s32 $execute0_lowered;
	[smem:$0x3FD2] =	sst s25  }
0xa6: {  	s5 =	sshll.u32 s26, $0x1;
	_ =	strace $0x80000046;
	[dreg:$0x1] =	wrdreg $0xFFFFFFFF  }
0xa7: {  	s28 =	simm.s32 $_size_execute0_lowered;
	s3 =	sadd.s32 s3, s5;
	[dreg:$0x0] =	wrdreg $0x0  }
0xa8: {  	s5 =	sshll.u32 s28, $0x1;
	[dreg:$0x2] =	wrdreg s3  }
0xa9: {  	[dreg:$0x3] =	wrdreg s5  }
0xaa: {  	[dreg:$0x4] =	wrdreg $0xC0  }
0xab: {  	_ =	task [dreg:s7], $0x5FFFF  }
0xac: {  	[dreg:$0x1] =	wrdreg $0xFFFFFFFF  }
0xad: {  	[dreg:$0x0] =	wrdreg $0x60  }
0xae: {  	[dreg:$0x2] =	wrdreg s2  }
0xaf: {  	[dreg:$0x3] =	wrdreg s24  }
0xb0: {  	[dreg:$0x4] =	wrdreg $0x9  }
0xb1: {  	_ =	task.clear_ibuf [dreg:s7], $0x5FFFF;
	_ =	strace $0x90000046  }
0xb2: {  	s29 =	simm.s32 $0x9;
	_ =	strace $0x80000048  }
0xb3: {  	_ =	swait.ge [sflag:s29], $0x1  }
0xb4: {  	[sflag:s29] =	ssyncadd.s32 $0xFFFFFFFF  }
0xb5: {  	_ =	strace $0x90000048  }
0xb6: {  	_ =	sfence  }
0xb7: {  	s30 =	sld [smem:$0x0];
	_ =	sdelay $0x2  }
0xb8: {  	s31 =	sshll.u32 s1, $0xD;
	s1 =	sshrl.u32 s1, $0x2  }
0xb9: {  	s3 =	sand.u32 $0x4000, s31;
	s1 =	sadd.s32 s1, s30  }
0xba: {  	s0 =	sor.u32 s3, s0;
	s1 =	sshll.u32 s1, $0x11  }
0xbb: {  	s0 =	sor.u32 s1, s0  }
0xbc: {  	s0 =	sadd.s32 $0x8F2B, s0  }
0xbd: {  	[sflag:s0] =	ssyncadd.remote.s32 $0x1  }
0xbe: {  	_ =	sfence.sel $0xFFFF  }
0xbf: {  	[dreg:$0x0] =	wrdreg $0xFFFFFFFF;
	(pc) =	sbr.abs _section_cstart, $3  }
0xc0: {  	[dreg:$0x1] =	wrdreg $0xFFFFFFFF  }
0xc1: {  	_ =	task.clear_ibuf [dreg:s7], $0x2FFFF;
	_ =	strace $0x9FFFFFFF  }
0xc2: {  	(tm) =	ssettm $0x7FFFFFFF  }
0xc3: {  	_ =	shalt  }
tec
execute0_lowered:
.L_overlay_start_1:
0x0: {  	(tag) =	ssettag $0x1  }
0x1: {  	s1 =	srdreg.scid  }
0x2: {  	s0 =	stileid.u32;
	s3 =	rddreg [dreg:$0x0]  }
0x3: {  	s6 =	rddreg [dreg:$0x1];
	s18 =	simm.s32 $0x880;
	s19 =	simm.s32 $0x1080  }
0x4: {  	s20 =	simm.s32 $0x1880;
	s22 =	simm.s32 $0x2080;
	s23 =	simm.s32 $0x2880  }
0x5: {  	s7 =	simm.s32 $0x3080;
	s24 =	simm.s32 $0x3880;
	s8 =	simm.s32 $0x4080  }
0x6: {  	s25 =	simm.s32 $0x4880;
	s26 =	simm.s32 $0x5080;
	s1 =	sand.u32 $0x1, s1  }
0x7: {  	s9 =	simm.s32 $0x80;
	s2 =	sshll.u32 s0, $0x7;
	s4 =	sshll.u32 s1, $0x6  }
0x8: {  	s11 =	simm.s32 $0x6080;
	s4 =	sor.u32 s4, s2;
	s2 =	simm.s32 $0x0  }
0x9: {  	s12 =	simm.s32 $0x6880;
	s13 =	simm.s32 $0x7080;
	[smem:$0x7FF] =	sst s2  }
0xa: {  	s14 =	simm.s32 $0x7880;
	_ =	strace $0x80000047;
	[dreg:$0x5] =	wrdreg s18  }
0xb: {  	s15 =	simm.s32 $0x8080;
	s16 =	simm.s32 $0x8880;
	[dreg:$0x6] =	wrdreg s19  }
0xc: {  	s17 =	simm.s32 $0x9080;
	s28 =	simm.s32 $0xE080;
	[dreg:$0x7] =	wrdreg s20  }
0xd: {  	s29 =	simm.s32 $0xE880;
	s30 =	simm.s32 $0xF080;
	[dreg:$0x8] =	wrdreg s22  }
0xe: {  	s31 =	simm.s32 $0xF880;
	s1 =	ssub.s32 $0x2, s1;
	[dreg:$0x9] =	wrdreg s23  }
0xf: {  	s21 =	sshrl.u32 s1, $0x1;
	s5 =	sshrl.u32 s4, $0x3;
	[dreg:$0xa] =	wrdreg s7  }
0x10: {  	s4 =	sshll.u32 s4, $0x7;
	s1 =	ssub.s32 s1, s21;
	[dreg:$0xb] =	wrdreg s24  }
0x11: {  	s21 =	simm.s32 $0xB080;
	s5 =	sadd.s32 s5, s6;
	[dreg:$0xc] =	wrdreg s8  }
0x12: {  	s3 =	sadd.s32 s3, s4;
	s4 =	sadd.s32 $0x1500, s6;
	[dreg:$0xd] =	wrdreg s25  }
0x13: {  	s7 =	smax.u32 s1, $0x1;
	s8 =	simm.s32 $0x2;
	[dreg:$0xe] =	wrdreg s26  }
0x14: {  	s18 =	simm.s32 $0x9880;
	s19 =	simm.s32 $0xA080;
	s20 =	simm.s32 $0xA880  }
0x15: {  	s22 =	simm.s32 $0xB880;
	s23 =	simm.s32 $0xC080;
	s24 =	simm.s32 $0xC880  }
0x16: {  	v2 =	vlaneseq.u32;
	s25 =	simm.s32 $0xD080;
	s26 =	simm.s32 $0xD880;
	s1 =	simm.s32 $0x1  }
0x17: {  	vm0 =	vmmov $0xffff;
	v1 =	vshrl.u32 v2, $0x3;
	s5 =	sadd.s32 $0x1200, s5;
	[dreg:$0x4] =	wrdreg s3;
	s3 =	sadd.s32 $0x1400, s6  }
0x18: {  	v0 =	vand.u32 $0x7, v2;
	v2 =	vor.u32 $0x8, v2;
	v1 =	vmul.u32 $0x8, v1;
	[dreg:$0x3] =	wrdreg s5;
	s5 =	sadd.s32 $0x1600, s6;
	s6 =	sadd.s32 $0x1700, s6  }
.LBB2_1:
0x19: {  	s0 =	rddreg [dreg:$0x3]  }
0x1a: {  	[tilespmem:s2], [sflag:$0x2] =	stream.linear.gather [hbm4b:s0+s2], $0x40, $0x38;
	[tilespmem:$0x10080] =	vst v63  }
0x1b: {  	_ =	swait.ge [sflag:s8], $0x40  }
0x1c: {  	[sflag:s8] =	ssyncset.done $0x0  }
0x1d: {  	s10 =	rddreg [dreg:$0x4];
	[sflag:s8] =	ssyncadd.s32 $0xFFFFFFC0  }
0x1e: {  	[tilespmem:s9], [sflag:$0x2] =	stream.linear.gather [hbm4b:s10+s2], $0x10000, $0x38;
	[tilespmem:$0x10080] =	vst v63  }
0x1f: {  	_ =	swait.ge [sflag:s8], $0x10000  }
0x20: {  	[sflag:s8] =	ssyncset.done $0x0  }
0x21: {  	[sflag:s8] =	ssyncadd.s32 $0xFFFF0000  }
0x22: {  	v3 =	vld [tilespmem:$0x0];
	_ =	sdelay $0x4  }
0x23: {  	v4 =	vshll.u32 v3, $0x3  }
0x24: {  	v3 =	vand.u32 $0x7, v3;
	v4 =	vand.u32 $0xFFFFFFC0, v4  }
0x25: {  	v3 =	vor.u32 v3, v4  }
0x26: {  	v4 =	vperm.xlane v3, v0;
	_ =	sdelay $0x1  }
0x27: {  	v4 =	vadd.s32 v1, v4;
	_ =	sdelay $0x4  }
0x28: {  	[hbm4b:s3+s2] =	stream.indirect_vreg.scatter [tilespmem:s9], [sflag:$0x1], $0x80, v4, vm0, $0xb8;
	[tilespmem:$0x10080] =	vst v63  }
0x29: {  	s0 =	rddreg [dreg:$0x5];
	v3 =	vperm.xlane v3, v2  }
0x2a: {  	[hbm4b:s4+s2] =	stream.indirect_vreg.scatter [tilespmem:s0], [sflag:$0x1], $0x80, v4, vm0, $0xb8;
	[tilespmem:$0x10080] =	vst v63  }
0x2b: {  	s10 =	rddreg [dreg:$0x6];
	v3 =	vadd.s32 v1, v3  }
0x2c: {  	[hbm4b:s5+s2] =	stream.indirect_vreg.scatter [tilespmem:s10], [sflag:$0x1], $0x80, v4, vm0, $0xb8;
	[tilespmem:$0x10080] =	vst v63  }
0x2d: {  	s0 =	rddreg [dreg:$0x7]  }
0x2e: {  	[hbm4b:s6+s2] =	stream.indirect_vreg.scatter [tilespmem:s0], [sflag:$0x1], $0x80, v4, vm0, $0xb8;
	[tilespmem:$0x10080] =	vst v63  }
0x2f: {  	s10 =	rddreg [dreg:$0x8]  }
0x30: {  	[hbm4b:s3+s2] =	stream.indirect_vreg.scatter [tilespmem:s10], [sflag:$0x1], $0x80, v3, vm0, $0xb8;
	[tilespmem:$0x10080] =	vst v63  }
0x31: {  	s0 =	rddreg [dreg:$0x9]  }
0x32: {  	[hbm4b:s4+s2] =	stream.indirect_vreg.scatter [tilespmem:s0], [sflag:$0x1], $0x80, v3, vm0, $0xb8;
	[tilespmem:$0x10080] =	vst v63  }
0x33: {  	s10 =	rddreg [dreg:$0xa]  }
0x34: {  	[hbm4b:s5+s2] =	stream.indirect_vreg.scatter [tilespmem:s10], [sflag:$0x1], $0x80, v3, vm0, $0xb8;
	[tilespmem:$0x10080] =	vst v63  }
0x35: {  	s0 =	rddreg [dreg:$0xb]  }
0x36: {  	[hbm4b:s6+s2] =	stream.indirect_vreg.scatter [tilespmem:s0], [sflag:$0x1], $0x80, v3, vm0, $0xb8;
	[tilespmem:$0x10080] =	vst v63  }
0x37: {  	v3 =	vld [tilespmem:$0x10];
	_ =	sdelay $0x4  }
0x38: {  	v61 =	vshll.u32 v3, $0x3  }
0x39: {  	v3 =	vand.u32 $0x7, v3;
	v4 =	vand.u32 $0xFFFFFFC0, v61  }
0x3a: {  	v3 =	vor.u32 v3, v4  }
0x3b: {  	v4 =	vperm.xlane v3, v0;
	_ =	sdelay $0x1  }
0x3c: {  	v4 =	vadd.s32 v1, v4;
	_ =	sdelay $0x3  }
0x3d: {  	s0 =	rddreg [dreg:$0xc]  }
0x3e: {  	[hbm4b:s3+s2] =	stream.indirect_vreg.scatter [tilespmem:s0], [sflag:$0x1], $0x80, v4, vm0, $0xb8;
	[tilespmem:$0x10080] =	vst v63  }
0x3f: {  	s10 =	rddreg [dreg:$0xd];
	v3 =	vperm.xlane v3, v2  }
0x40: {  	[hbm4b:s4+s2] =	stream.indirect_vreg.scatter [tilespmem:s10], [sflag:$0x1], $0x80, v4, vm0, $0xb8;
	[tilespmem:$0x10080] =	vst v63  }
0x41: {  	v3 =	vadd.s32 v1, v3;
	s0 =	rddreg [dreg:$0xe]  }
0x42: {  	[hbm4b:s5+s2] =	stream.indirect_vreg.scatter [tilespmem:s0], [sflag:$0x1], $0x80, v4, vm0, $0xb8;
	[tilespmem:$0x10080] =	vst v63  }
0x43: {  	s10 =	simm.s32 $0x5880  }
0x44: {  	[hbm4b:s6+s2] =	stream.indirect_vreg.scatter [tilespmem:s10], [sflag:$0x1], $0x80, v4, vm0, $0xb8;
	[tilespmem:$0x10080] =	vst v63  }
0x45: {  	_ = 	snop  }
0x46: {  	[hbm4b:s3+s2] =	stream.indirect_vreg.scatter [tilespmem:s11], [sflag:$0x1], $0x80, v3, vm0, $0xb8;
	[tilespmem:$0x10080] =	vst v63  }
0x47: {  	_ = 	snop  }
0x48: {  	[hbm4b:s4+s2] =	stream.indirect_vreg.scatter [tilespmem:s12], [sflag:$0x1], $0x80, v3, vm0, $0xb8;
	[tilespmem:$0x10080] =	vst v63  }
0x49: {  	_ = 	snop  }
0x4a: {  	[hbm4b:s5+s2] =	stream.indirect_vreg.scatter [tilespmem:s13], [sflag:$0x1], $0x80, v3, vm0, $0xb8;
	[tilespmem:$0x10080] =	vst v63  }
0x4b: {  	_ = 	snop  }
0x4c: {  	[hbm4b:s6+s2] =	stream.indirect_vreg.scatter [tilespmem:s14], [sflag:$0x1], $0x80, v3, vm0, $0xb8;
	[tilespmem:$0x10080] =	vst v63  }
0x4d: {  	v3 =	vld [tilespmem:$0x20];
	_ =	sdelay $0x4  }
0x4e: {  	v62 =	vshll.u32 v3, $0x3  }
0x4f: {  	v3 =	vand.u32 $0x7, v3;
	v4 =	vand.u32 $0xFFFFFFC0, v62  }
0x50: {  	v3 =	vor.u32 v3, v4  }
0x51: {  	v4 =	vperm.xlane v3, v0;
	_ =	sdelay $0x1  }
0x52: {  	v4 =	vadd.s32 v1, v4;
	_ =	sdelay $0x4  }
0x53: {  	[hbm4b:s3+s2] =	stream.indirect_vreg.scatter [tilespmem:s15], [sflag:$0x1], $0x80, v4, vm0, $0xb8;
	[tilespmem:$0x10080] =	vst v63  }
0x54: {  	v3 =	vperm.xlane v3, v2  }
0x55: {  	[hbm4b:s4+s2] =	stream.indirect_vreg.scatter [tilespmem:s16], [sflag:$0x1], $0x80, v4, vm0, $0xb8;
	[tilespmem:$0x10080] =	vst v63  }
0x56: {  	v3 =	vadd.s32 v1, v3  }
0x57: {  	[hbm4b:s5+s2] =	stream.indirect_vreg.scatter [tilespmem:s17], [sflag:$0x1], $0x80, v4, vm0, $0xb8;
	[tilespmem:$0x10080] =	vst v63  }
0x58: {  	_ = 	snop  }
0x59: {  	[hbm4b:s6+s2] =	stream.indirect_vreg.scatter [tilespmem:s18], [sflag:$0x1], $0x80, v4, vm0, $0xb8;
	[tilespmem:$0x10080] =	vst v63  }
0x5a: {  	_ = 	snop  }
0x5b: {  	[hbm4b:s3+s2] =	stream.indirect_vreg.scatter [tilespmem:s19], [sflag:$0x1], $0x80, v3, vm0, $0xb8;
	[tilespmem:$0x10080] =	vst v63  }
0x5c: {  	_ = 	snop  }
0x5d: {  	[hbm4b:s4+s2] =	stream.indirect_vreg.scatter [tilespmem:s20], [sflag:$0x1], $0x80, v3, vm0, $0xb8;
	[tilespmem:$0x10080] =	vst v63  }
0x5e: {  	_ = 	snop  }
0x5f: {  	[hbm4b:s5+s2] =	stream.indirect_vreg.scatter [tilespmem:s21], [sflag:$0x1], $0x80, v3, vm0, $0xb8;
	[tilespmem:$0x10080] =	vst v63  }
0x60: {  	_ = 	snop  }
0x61: {  	[hbm4b:s6+s2] =	stream.indirect_vreg.scatter [tilespmem:s22], [sflag:$0x1], $0x80, v3, vm0, $0xb8;
	[tilespmem:$0x10080] =	vst v63  }
0x62: {  	v3 =	vld [tilespmem:$0x30];
	_ =	sdelay $0x4  }
0x63: {  	v63 =	vshll.u32 v3, $0x3  }
0x64: {  	v3 =	vand.u32 $0x7, v3;
	v4 =	vand.u32 $0xFFFFFFC0, v63  }
0x65: {  	v3 =	vor.u32 v3, v4  }
0x66: {  	v4 =	vperm.xlane v3, v0;
	_ =	sdelay $0x1  }
0x67: {  	v4 =	vadd.s32 v1, v4;
	_ =	sdelay $0x4  }
0x68: {  	[hbm4b:s3+s2] =	stream.indirect_vreg.scatter [tilespmem:s23], [sflag:$0x1], $0x80, v4, vm0, $0xb8;
	[tilespmem:$0x10080] =	vst v63  }
0x69: {  	v3 =	vperm.xlane v3, v2  }
0x6a: {  	[hbm4b:s4+s2] =	stream.indirect_vreg.scatter [tilespmem:s24], [sflag:$0x1], $0x80, v4, vm0, $0xb8;
	[tilespmem:$0x10080] =	vst v63  }
0x6b: {  	v3 =	vadd.s32 v1, v3  }
0x6c: {  	[hbm4b:s5+s2] =	stream.indirect_vreg.scatter [tilespmem:s25], [sflag:$0x1], $0x80, v4, vm0, $0xb8;
	[tilespmem:$0x10080] =	vst v63  }
0x6d: {  	_ = 	snop  }
0x6e: {  	[hbm4b:s6+s2] =	stream.indirect_vreg.scatter [tilespmem:s26], [sflag:$0x1], $0x80, v4, vm0, $0xb8;
	[tilespmem:$0x10080] =	vst v63  }
0x6f: {  	_ = 	snop  }
0x70: {  	[hbm4b:s3+s2] =	stream.indirect_vreg.scatter [tilespmem:s28], [sflag:$0x1], $0x80, v3, vm0, $0xb8;
	[tilespmem:$0x10080] =	vst v63  }
0x71: {  	_ = 	snop  }
0x72: {  	[hbm4b:s4+s2] =	stream.indirect_vreg.scatter [tilespmem:s29], [sflag:$0x1], $0x80, v3, vm0, $0xb8;
	[tilespmem:$0x10080] =	vst v63  }
0x73: {  	p0 =	sne.s32 s7, $0x1  }
0x74: {  	[hbm4b:s5+s2] =	stream.indirect_vreg.scatter [tilespmem:s30], [sflag:$0x1], $0x80, v3, vm0, $0xb8;
	[tilespmem:$0x10080] =	vst v63  }
.Ltmp0:
0x75: {  	_ = 	snop;
	(pc) =	sbr.rel @p0 .LBB2_1-.Ltmp0, $4  }
0x76: {  	[hbm4b:s6+s2] =	stream.indirect_vreg.scatter [tilespmem:s31], [sflag:$0x1], $0x80, v3, vm0, $0xb8;
	[tilespmem:$0x10080] =	vst v63  }
0x77: {  	_ =	swait.ge [sflag:s1], $0x10000  }
0x78: {  	[sflag:s1] =	ssyncset.done $0x0  }
0x79: {  	s7 =	sadd.s32 $0xFFFFFFFF, s7;
	[sflag:s1] =	ssyncadd.s32 $0xFFFF0000  }
0x7a: {  	_ =	sfence.sel $0x180000  }
0x7b: {  	[bflag:$0x0] =	sbarrier.arrive $0xFFFF  }
0x7c: {  	_ =	strace $0x90000047  }
0x7d: {  	s0 =	stileid.u32;
	[bflag:$0x2] =	sbarrier.arrive $0xFFFF  }
0x7e: {  	p0 =	sne.s32 s0, $0x0;
	s0 =	rddreg [dreg:$0x2]  }
0x7f: {  	s0 =	sadd.s32 @!p0 $0x100000, s0  }
0x80: {  	[sflag:s0] =	ssyncadd.tile.s32 @!p0 $0x1;
	_ =	shalt  }
.Lfunc_end2:
_tile_overlayer_lowered:
.L_overlay_start_2:
0x81: {  	(tag) =	ssettag $0x2  }
0x82: {  	s0 =	rddreg [dreg:$0x0];
	s2 =	stileid.u32  }
0x83: {  	s1 =	rddreg [dreg:$0x1];
	p0 =	sne.s32 s2, $0x0  }
0x84: {  	s3 =	rddreg [dreg:$0x2];
	[bflag:$0x3] =	sbarrier.arrive $0xFFFF;
	s2 =	simm.s32 @!p0 $0x1C02  }
0x85: {  	[timem:s3], [sflag:s2] =	dma.local @!p0 [hbm:s0], s1  }
0x86: {  	s0 =	simm.s32 @!p0 $0x2  }
0x87: {  	_ =	swait.ge @!p0 [sflag:s0], s1  }
0x88: {  	s1 =	ssub.s32 @!p0 $0x0, s1;
	[sflag:s0] =	ssyncset.done @!p0 $0x0  }
0x89: {  	[sflag:s0] =	ssyncadd.s32 @!p0 s1  }
0x8a: {  	[bflag:$0x3] =	sbarrier.arrive $0xFFFF  }
0x8b: {  	_ =	shalt  }

// kernel: kernel.9.cloned.1.call-start
scs
__scs_entry_jumppad:
0x0: {  	(pc) =	sbr.rel $0x88, $3  }
0x1: {  	(tag) =	ssettag $0x0;
	lr =	simm.s32 $0x1  }
0x2: {  	[smem:$0x3F9C] =	sst lr;
	_ =	strace $0xD0000000  }
0x3: {  	_ = 	snop  }
0x4: {  	_ = 	snop  }
0x5: {  	_ = 	snop  }
0x6: {  	_ = 	snop  }
0x7: {  	_ = 	snop  }
__scs_overlays_trampoline_lowered:
0x8: {  	[smem:$0x3FAB] =	sst s0  }
0x9: {  	[smem:$0x3FAC] =	sst s1  }
0xa: {  	[smem:$0x3FAD] =	sst s2  }
0xb: {  	[smem:$0x3FAE] =	sst s3  }
0xc: {  	[smem:$0x3FAF] =	sst s4  }
0xd: {  	[smem:$0x3FB0] =	sst s5  }
0xe: {  	[smem:$0x3FB1] =	sst s6  }
0xf: {  	[smem:$0x3FB2] =	sst s7  }
0x10: {  	[smem:$0x3FB3] =	sst s8  }
0x11: {  	[smem:$0x3FB4] =	sst s9;
	s0 =	simm.s32 @!p0 $0x0  }
0x12: {  	s1 =	sld [smem:$0x3F9A];
	s0 =	simm.s32 @p0 $0x1  }
0x13: {  	[smem:$0x3FB5] =	sst s0;
	s0 =	simm.s32 @!p1 $0x0  }
0x14: {  	s2 =	sld [smem:$0x3F99];
	s0 =	simm.s32 @p1 $0x1  }
0x15: {  	[smem:$0x3FB6] =	sst s0;
	s0 =	simm.s32 @!p2 $0x0  }
0x16: {  	s3 =	sld [smem:$0x3FDB];
	s0 =	simm.s32 @p2 $0x1  }
0x17: {  	s4 =	simm.s32 $0x1BF5;
	[smem:$0x3FB8] =	sst s0  }
0x18: {  	s0 =	sld [smem:$0x3F9B];
	_ =	swait.ge [sflag:s4], $0x0  }
0x19: {  	s7 =	sld [smem:$0x3F9C]  }
0x1a: {  	s8 =	sadd.s32 $0xFFFFE003, lr  }
0x1b: {  	s9 =	sadd.s32 $0xFFFFFEF7, lr;
	s5 =	simm.s32 $0xFFFFFFFF;
	p2 =	slt.u32 s8, $0xFFFFF086  }
0x1c: {  	p1 =	slt.u32 s9, $0xF7A;
	s5 =	simm.s32 @!p2 $0x0  }
0x1d: {  	s5 =	simm.s32 @p1 $0x1;
	p0 =	seq.s32 s7, s2  }
0x1e: {  	s7 =	smul.u32 @!p0 $0xF7A, s2;
	p2 =	seq.s32 @!p0 s5, $0x0  }
0x1f: {  	s9 =	smul.u32 $0xF7A, s1;
	s8 =	simm.s32 @!p0 $0x1BF5;
	p2 =	por !p2, p0  }
0x20: {  	[sflag:s8] =	ssyncset.s32 @!p0 $0xFFFFF086;
	s6 =	sadd.s32 @!p0 s3, s7;
	s7 =	simm.s32 @!p0 $0x108  }
0x21: {  	s3 =	sadd.s32 s3, s9;
	s6 =	sadd.s32 @!p0 $0x88, s6;
	s7 =	simm.s32 @p2 $0x1082  }
0x22: {  	[simem:s7], [sflag:s8] =	dma.local @!p0 [hbm:s6], $0xF7A  }
0x23: {  	s9 =	sor.u32 $0xD0000000, s2;
	s6 =	simm.s32 $0x108;
	_ =	swait.ge @!p0 [sflag:s8], $0x0  }
0x24: {  	s3 =	sadd.s32 $0x88, s3;
	s6 =	simm.s32 @!p1 $0x1082;
	[sflag:s4] =	ssyncset.s32 $0xFFFFF086  }
0x25: {  	[simem:s6], [sflag:s4] =	dma.local [hbm:s3], $0xF7A  }
0x26: {  	[smem:$0x3F9C] =	sst s1;
	(tag) =	ssettag s2;
	_ =	strace s9  }
0x27: {  	s1 =	sld [smem:$0x3FAC]  }
0x28: {  	s2 =	sld [smem:$0x3FAD]  }
0x29: {  	s4 =	sld [smem:$0x3FAF]  }
0x2a: {  	p0 =	seq.s32 s5, $0x0;
	s5 =	sld [smem:$0x3FB0]  }
0x2b: {  	s6 =	sld [smem:$0x3FB1]  }
0x2c: {  	s7 =	sld [smem:$0x3FB2]  }
0x2d: {  	s3 =	simm.s32 $0x108;
	s8 =	sld [smem:$0x3FB3]  }
0x2e: {  	s3 =	simm.s32 @!p0 $0x1082;
	s9 =	sld [smem:$0x3FB4]  }
0x2f: {  	lr =	sadd.s32 s0, s3;
	s0 =	sld [smem:$0x3FAB]  }
0x30: {  	s3 =	sld [smem:$0x3FAE]  }
0x31: {  	[smem:$0x3FB7] =	sst s10  }
0x32: {  	s10 =	sld [smem:$0x3FB5];
	_ =	sdelay $0x3  }
0x33: {  	p0 =	seq.s32 s10, $0x1;
	s10 =	sld [smem:$0x3FB7];
	_ =	sdelay $0x3  }
0x34: {  	[smem:$0x3FB7] =	sst s10  }
0x35: {  	s10 =	sld [smem:$0x3FB6];
	_ =	sdelay $0x3  }
0x36: {  	p1 =	seq.s32 s10, $0x1;
	s10 =	sld [smem:$0x3FB7];
	_ =	sdelay $0x3  }
0x37: {  	[smem:$0x3FB7] =	sst s10  }
0x38: {  	s10 =	sld [smem:$0x3FB8]  }
0x39: {  	_ = 	snop;
	(pc) =	sbr.ind lr, $3  }
0x3a: {  	_ = 	snop  }
0x3b: {  	_ = 	snop  }
0x3c: {  	p2 =	seq.s32 s10, $0x1;
	s10 =	sld [smem:$0x3FB7]  }
0x3d: {  	_ =	shalt  }
0x3e: {  	_ =	shalt  }
0x3f: {  	_ =	shalt  }
0x40: {  	_ =	shalt  }
0x41: {  	_ =	shalt  }
0x42: {  	_ =	shalt  }
0x43: {  	_ =	shalt  }
0x44: {  	_ =	shalt  }
0x45: {  	_ =	shalt  }
0x46: {  	_ =	shalt  }
0x47: {  	_ =	shalt  }
0x48: {  	_ =	shalt  }
0x49: {  	_ =	shalt  }
0x4a: {  	_ =	shalt  }
0x4b: {  	_ =	shalt  }
0x4c: {  	_ =	shalt  }
0x4d: {  	_ =	shalt  }
0x4e: {  	_ =	shalt  }
0x4f: {  	_ =	shalt  }
0x50: {  	_ =	shalt  }
0x51: {  	_ =	shalt  }
0x52: {  	_ =	shalt  }
0x53: {  	_ =	shalt  }
0x54: {  	_ =	shalt  }
0x55: {  	_ =	shalt  }
0x56: {  	_ =	shalt  }
0x57: {  	_ =	shalt  }
0x58: {  	_ =	shalt  }
0x59: {  	_ =	shalt  }
0x5a: {  	_ =	shalt  }
0x5b: {  	_ =	shalt  }
0x5c: {  	_ =	shalt  }
0x5d: {  	_ =	shalt  }
0x5e: {  	_ =	shalt  }
0x5f: {  	_ =	shalt  }
0x60: {  	_ =	shalt  }
0x61: {  	_ =	shalt  }
0x62: {  	_ =	shalt  }
0x63: {  	_ =	shalt  }
0x64: {  	_ =	shalt  }
0x65: {  	_ =	shalt  }
0x66: {  	_ =	shalt  }
0x67: {  	_ =	shalt  }
0x68: {  	_ =	shalt  }
0x69: {  	_ =	shalt  }
0x6a: {  	_ =	shalt  }
0x6b: {  	_ =	shalt  }
0x6c: {  	_ =	shalt  }
0x6d: {  	_ =	shalt  }
0x6e: {  	_ =	shalt  }
0x6f: {  	_ =	shalt  }
0x70: {  	_ =	shalt  }
0x71: {  	_ =	shalt  }
0x72: {  	_ =	shalt  }
0x73: {  	_ =	shalt  }
0x74: {  	_ =	shalt  }
0x75: {  	_ =	shalt  }
0x76: {  	_ =	shalt  }
0x77: {  	_ =	shalt  }
0x78: {  	_ =	shalt  }
0x79: {  	_ =	shalt  }
0x7a: {  	_ =	shalt  }
0x7b: {  	_ =	shalt  }
0x7c: {  	_ =	shalt  }
0x7d: {  	_ =	shalt  }
0x7e: {  	_ =	shalt  }
0x7f: {  	_ =	shalt  }
0x80: {  	_ =	shalt  }
0x81: {  	_ =	shalt  }
0x82: {  	_ =	shalt  }
0x83: {  	_ =	shalt  }
0x84: {  	_ =	shalt  }
0x85: {  	_ =	shalt  }
0x86: {  	_ =	shalt  }
0x87: {  	_ =	shalt  }
.Lfunc_end0:
.L_simem_size_0:
called_computation.1_lowered:
.L_overlay_start_0:
0x88: {  	s2 =	sld [smem:$0x3FD9]  }
0x89: {  	s3 =	sld [smem:$0x3FFE];
	_ =	sdelay $0x1  }
0x8a: {  	s1 =	srdreg.scid  }
0x8b: {  	s0 =	sand.u32 $0x1, s1  }
0x8c: {  	s14 =	sshll.u32 s0, $0xA;
	s2 =	sadd.s32 s3, s2  }
0x8d: {  	s2 =	sadd.s32 s2, s14  }
0x8e: {  	[smem:$0x3FC3] =	sst s2  }
0x8f: {  	_ = 	snop  }
0x90: {  	s2 =	sld [smem:$0x3FD0];
	_ =	sdelay $0x2  }
0x91: {  	s15 =	simm.s32 $0xA;
	s4 =	simm.s32 $0x10  }
0x92: {  	[smem:s4], [sflag:s15] =	dma.local [hbm:s2], $0x1  }
0x93: {  	_ =	swait.eq [sflag:s15], $0x1  }
0x94: {  	[sflag:s15] =	ssyncset.done $0x0  }
0x95: {  	[sflag:s15] =	ssyncadd.s32 $0xFFFFFFFF  }
0x96: {  	s16 =	sld [smem:$0x10];
	(tm) =	ssettm $0x1  }
0x97: {  	s17 =	sld [smem:$0x3FFB];
	_ =	sdelay $0x3  }
0x98: {  	_ =	strace s17  }
0x99: {  	s3 =	sld [smem:$0x3FFC];
	_ =	sdelay $0x3  }
0x9a: {  	_ =	strace s3  }
0x9b: {  	s3 =	sld [smem:$0x3FFD];
	_ =	sdelay $0x3  }
0x9c: {  	_ =	strace s3  }
0x9d: {  	_ =	strace $0x8FFFFFFF  }
0x9e: {  	s18 =	sld [smem:$0x3FDB];
	_ =	sdelay $0x1  }
0x9f: {  	s19 =	simm.s32 $_scs_section_size  }
0xa0: {  	s5 =	simm.s32 $_size__tile_overlayer_lowered;
	s6 =	simm.s32 $_tile_overlayer_lowered  }
0xa1: {  	s22 =	simm.s32 $0x1BFF;
	s21 =	sshll.u32 s6, $0x1;
	s3 =	sadd.s32 s19, s18  }
0xa2: {  	s7 =	simm.s32 $0x0;
	s20 =	sshll.u32 s5, $0x1;
	s5 =	sadd.s32 s21, s3  }
0xa3: {  	[timem:s7], [sflag:s22] =	dma.local [hbm:s5], s20  }
0xa4: {  	_ =	swait.ge [sflag:s22], s20  }
0xa5: {  	s4 =	ssub.s32 $0x0, s20;
	[sflag:s22] =	ssyncset.done $0x0  }
0xa6: {  	[sflag:s22] =	ssyncadd.s32 s4;
	_ =	sdelay $0x1  }
0xa7: {  	s23 =	simm.s32 $0x1B8B  }
0xa8: {  	_ =	swait.ge [sflag:s23], $0x1  }
0xa9: {  	[sflag:s23] =	ssyncset.done $0x0  }
0xaa: {  	s25 =	simm.s32 $0x1B8E;
	s24 =	sld [smem:$0x3FFE];
	[sflag:s23] =	ssyncadd.s32 $0xFFFFFFFF  }
0xab: {  	s26 =	simm.s32 $execute0_lowered;
	[smem:$0x3FD2] =	sst s25  }
0xac: {  	s5 =	sshll.u32 s26, $0x1;
	_ =	strace $0x80000049;
	[dreg:$0x1] =	wrdreg $0xFFFFFFFF  }
0xad: {  	s28 =	simm.s32 $_size_execute0_lowered;
	s3 =	sadd.s32 s3, s5;
	[dreg:$0x0] =	wrdreg $0x0  }
0xae: {  	s5 =	sshll.u32 s28, $0x1;
	[dreg:$0x2] =	wrdreg s3  }
0xaf: {  	[dreg:$0x3] =	wrdreg s5  }
0xb0: {  	[dreg:$0x4] =	wrdreg $0xC0  }
0xb1: {  	_ =	task [dreg:s7], $0x5FFFF  }
0xb2: {  	[dreg:$0x1] =	wrdreg $0xFFFFFFFF  }
0xb3: {  	[dreg:$0x0] =	wrdreg $0x60  }
0xb4: {  	[dreg:$0x2] =	wrdreg s24  }
0xb5: {  	[dreg:$0x3] =	wrdreg s16  }
0xb6: {  	[dreg:$0x4] =	wrdreg $0x9  }
0xb7: {  	_ =	task.clear_ibuf [dreg:s7], $0x5FFFF;
	_ =	strace $0x90000049  }
0xb8: {  	s29 =	simm.s32 $0x9;
	_ =	strace $0x8000004B  }
0xb9: {  	_ =	swait.ge [sflag:s29], $0x1  }
0xba: {  	[sflag:s29] =	ssyncadd.s32 $0xFFFFFFFF  }
0xbb: {  	_ =	strace $0x9000004B  }
0xbc: {  	_ =	sfence  }
0xbd: {  	s30 =	sld [smem:$0x0];
	_ =	sdelay $0x2  }
0xbe: {  	s31 =	sshll.u32 s1, $0xD;
	s1 =	sshrl.u32 s1, $0x2  }
0xbf: {  	s3 =	sand.u32 $0x4000, s31;
	s1 =	sadd.s32 s1, s30  }
0xc0: {  	s0 =	sor.u32 s3, s0;
	s1 =	sshll.u32 s1, $0x11  }
0xc1: {  	s0 =	sor.u32 s1, s0  }
0xc2: {  	s0 =	sadd.s32 $0x8F2B, s0  }
0xc3: {  	[sflag:s0] =	ssyncadd.remote.s32 $0x1  }
0xc4: {  	_ =	sfence.sel $0xFFFF  }
0xc5: {  	[dreg:$0x0] =	wrdreg $0xFFFFFFFF;
	(pc) =	sbr.abs _section_cstart, $3  }
0xc6: {  	[dreg:$0x1] =	wrdreg $0xFFFFFFFF  }
0xc7: {  	_ =	task.clear_ibuf [dreg:s7], $0x2FFFF;
	_ =	strace $0x9FFFFFFF  }
0xc8: {  	(tm) =	ssettm $0x7FFFFFFF  }
0xc9: {  	_ =	shalt  }
tec
execute0_lowered:
.L_overlay_start_1:
0x0: {  	(tag) =	ssettag $0x1  }
0x1: {  	s1 =	srdreg.scid  }
0x2: {  	s0 =	stileid.u32;
	s6 =	rddreg [dreg:$0x0]  }
0x3: {  	s4 =	rddreg [dreg:$0x1];
	s18 =	simm.s32 $0x880;
	s19 =	simm.s32 $0x1080  }
0x4: {  	s20 =	simm.s32 $0x1880;
	s22 =	simm.s32 $0x2080;
	s23 =	simm.s32 $0x2880  }
0x5: {  	s7 =	simm.s32 $0x3080;
	s24 =	simm.s32 $0x3880;
	s8 =	simm.s32 $0x4080  }
0x6: {  	s25 =	simm.s32 $0x4880;
	s26 =	simm.s32 $0x5080;
	s1 =	sand.u32 $0x1, s1  }
0x7: {  	s9 =	simm.s32 $0x80;
	s2 =	sshll.u32 s0, $0x7;
	s3 =	sshll.u32 s1, $0x6  }
0x8: {  	s11 =	simm.s32 $0x6080;
	s3 =	sor.u32 s3, s2;
	s2 =	simm.s32 $0x0  }
0x9: {  	s12 =	simm.s32 $0x6880;
	s13 =	simm.s32 $0x7080;
	[smem:$0x7FF] =	sst s2  }
0xa: {  	s14 =	simm.s32 $0x7880;
	_ =	strace $0x8000004A;
	[dreg:$0x5] =	wrdreg s18  }
0xb: {  	s15 =	simm.s32 $0x8080;
	s16 =	simm.s32 $0x8880;
	[dreg:$0x6] =	wrdreg s19  }
0xc: {  	s17 =	simm.s32 $0x9080;
	s28 =	simm.s32 $0xE080;
	[dreg:$0x7] =	wrdreg s20  }
0xd: {  	s29 =	simm.s32 $0xE880;
	s30 =	simm.s32 $0xF080;
	[dreg:$0x8] =	wrdreg s22  }
0xe: {  	s31 =	simm.s32 $0xF880;
	s1 =	ssub.s32 $0x2, s1;
	[dreg:$0x9] =	wrdreg s23  }
0xf: {  	s21 =	sshrl.u32 s1, $0x1;
	s5 =	sshrl.u32 s3, $0x3;
	[dreg:$0xa] =	wrdreg s7  }
0x10: {  	s3 =	sshll.u32 s3, $0x7;
	s1 =	ssub.s32 s1, s21;
	[dreg:$0xb] =	wrdreg s24  }
0x11: {  	s21 =	simm.s32 $0xB080;
	s5 =	sadd.s32 s5, s6;
	[dreg:$0xc] =	wrdreg s8  }
0x12: {  	s3 =	sadd.s32 s4, s3;
	s4 =	sadd.s32 $0x1500, s6;
	[dreg:$0xd] =	wrdreg s25  }
0x13: {  	s7 =	smax.u32 s1, $0x1;
	s8 =	simm.s32 $0x2;
	[dreg:$0xe] =	wrdreg s26  }
0x14: {  	s18 =	simm.s32 $0x9880;
	s19 =	simm.s32 $0xA080;
	s20 =	simm.s32 $0xA880  }
0x15: {  	s22 =	simm.s32 $0xB880;
	s23 =	simm.s32 $0xC080;
	s24 =	simm.s32 $0xC880  }
0x16: {  	v2 =	vlaneseq.u32;
	s25 =	simm.s32 $0xD080;
	s26 =	simm.s32 $0xD880;
	s1 =	simm.s32 $0x1  }
0x17: {  	vm0 =	vmmov $0xffff;
	v1 =	vshrl.u32 v2, $0x3;
	s5 =	sadd.s32 $0x1200, s5;
	[dreg:$0x4] =	wrdreg s3;
	s3 =	sadd.s32 $0x1400, s6  }
0x18: {  	v0 =	vand.u32 $0x7, v2;
	v2 =	vor.u32 $0x8, v2;
	v1 =	vmul.u32 $0x8, v1;
	[dreg:$0x3] =	wrdreg s5;
	s5 =	sadd.s32 $0x1600, s6;
	s6 =	sadd.s32 $0x1700, s6  }
.LBB2_1:
0x19: {  	s0 =	rddreg [dreg:$0x3]  }
0x1a: {  	[tilespmem:s2], [sflag:$0x2] =	stream.linear.gather [hbm4b:s0+s2], $0x40, $0x38;
	[tilespmem:$0x10080] =	vst v63  }
0x1b: {  	_ =	swait.ge [sflag:s8], $0x40  }
0x1c: {  	[sflag:s8] =	ssyncset.done $0x0  }
0x1d: {  	[sflag:s8] =	ssyncadd.s32 $0xFFFFFFC0  }
0x1e: {  	v3 =	vld [tilespmem:$0x0];
	_ =	sdelay $0x4  }
0x1f: {  	v4 =	vshll.u32 v3, $0x3  }
0x20: {  	v3 =	vand.u32 $0x7, v3;
	v4 =	vand.u32 $0xFFFFFFC0, v4  }
0x21: {  	v3 =	vor.u32 v3, v4  }
0x22: {  	v4 =	vperm.xlane v3, v0;
	_ =	sdelay $0x1  }
0x23: {  	v4 =	vadd.s32 v1, v4;
	_ =	sdelay $0x4  }
0x24: {  	[tilespmem:s9], [sflag:$0x1] =	stream.indirect_vreg.gather [hbm4b:s3+s2], $0x80, v4, vm0, $0xb8;
	[tilespmem:$0x10080] =	vst v63  }
0x25: {  	s0 =	rddreg [dreg:$0x5];
	v3 =	vperm.xlane v3, v2  }
0x26: {  	[tilespmem:s0], [sflag:$0x1] =	stream.indirect_vreg.gather [hbm4b:s4+s2], $0x80, v4, vm0, $0xb8;
	[tilespmem:$0x10080] =	vst v63  }
0x27: {  	s10 =	rddreg [dreg:$0x6];
	v3 =	vadd.s32 v1, v3  }
0x28: {  	[tilespmem:s10], [sflag:$0x1] =	stream.indirect_vreg.gather [hbm4b:s5+s2], $0x80, v4, vm0, $0xb8;
	[tilespmem:$0x10080] =	vst v63  }
0x29: {  	s0 =	rddreg [dreg:$0x7]  }
0x2a: {  	[tilespmem:s0], [sflag:$0x1] =	stream.indirect_vreg.gather [hbm4b:s6+s2], $0x80, v4, vm0, $0xb8;
	[tilespmem:$0x10080] =	vst v63  }
0x2b: {  	s10 =	rddreg [dreg:$0x8]  }
0x2c: {  	[tilespmem:s10], [sflag:$0x1] =	stream.indirect_vreg.gather [hbm4b:s3+s2], $0x80, v3, vm0, $0xb8;
	[tilespmem:$0x10080] =	vst v63  }
0x2d: {  	s0 =	rddreg [dreg:$0x9]  }
0x2e: {  	[tilespmem:s0], [sflag:$0x1] =	stream.indirect_vreg.gather [hbm4b:s4+s2], $0x80, v3, vm0, $0xb8;
	[tilespmem:$0x10080] =	vst v63  }
0x2f: {  	s10 =	rddreg [dreg:$0xa]  }
0x30: {  	[tilespmem:s10], [sflag:$0x1] =	stream.indirect_vreg.gather [hbm4b:s5+s2], $0x80, v3, vm0, $0xb8;
	[tilespmem:$0x10080] =	vst v63  }
0x31: {  	s0 =	rddreg [dreg:$0xb]  }
0x32: {  	[tilespmem:s0], [sflag:$0x1] =	stream.indirect_vreg.gather [hbm4b:s6+s2], $0x80, v3, vm0, $0xb8;
	[tilespmem:$0x10080] =	vst v63  }
0x33: {  	v3 =	vld [tilespmem:$0x10];
	_ =	sdelay $0x4  }
0x34: {  	v61 =	vshll.u32 v3, $0x3  }
0x35: {  	v3 =	vand.u32 $0x7, v3;
	v4 =	vand.u32 $0xFFFFFFC0, v61  }
0x36: {  	v3 =	vor.u32 v3, v4  }
0x37: {  	v4 =	vperm.xlane v3, v0;
	_ =	sdelay $0x1  }
0x38: {  	v4 =	vadd.s32 v1, v4;
	_ =	sdelay $0x3  }
0x39: {  	s0 =	rddreg [dreg:$0xc]  }
0x3a: {  	[tilespmem:s0], [sflag:$0x1] =	stream.indirect_vreg.gather [hbm4b:s3+s2], $0x80, v4, vm0, $0xb8;
	[tilespmem:$0x10080] =	vst v63  }
0x3b: {  	s10 =	rddreg [dreg:$0xd];
	v3 =	vperm.xlane v3, v2  }
0x3c: {  	[tilespmem:s10], [sflag:$0x1] =	stream.indirect_vreg.gather [hbm4b:s4+s2], $0x80, v4, vm0, $0xb8;
	[tilespmem:$0x10080] =	vst v63  }
0x3d: {  	v3 =	vadd.s32 v1, v3;
	s0 =	rddreg [dreg:$0xe]  }
0x3e: {  	[tilespmem:s0], [sflag:$0x1] =	stream.indirect_vreg.gather [hbm4b:s5+s2], $0x80, v4, vm0, $0xb8;
	[tilespmem:$0x10080] =	vst v63  }
0x3f: {  	s10 =	simm.s32 $0x5880  }
0x40: {  	[tilespmem:s10], [sflag:$0x1] =	stream.indirect_vreg.gather [hbm4b:s6+s2], $0x80, v4, vm0, $0xb8;
	[tilespmem:$0x10080] =	vst v63  }
0x41: {  	_ = 	snop  }
0x42: {  	[tilespmem:s11], [sflag:$0x1] =	stream.indirect_vreg.gather [hbm4b:s3+s2], $0x80, v3, vm0, $0xb8;
	[tilespmem:$0x10080] =	vst v63  }
0x43: {  	_ = 	snop  }
0x44: {  	[tilespmem:s12], [sflag:$0x1] =	stream.indirect_vreg.gather [hbm4b:s4+s2], $0x80, v3, vm0, $0xb8;
	[tilespmem:$0x10080] =	vst v63  }
0x45: {  	_ = 	snop  }
0x46: {  	[tilespmem:s13], [sflag:$0x1] =	stream.indirect_vreg.gather [hbm4b:s5+s2], $0x80, v3, vm0, $0xb8;
	[tilespmem:$0x10080] =	vst v63  }
0x47: {  	_ = 	snop  }
0x48: {  	[tilespmem:s14], [sflag:$0x1] =	stream.indirect_vreg.gather [hbm4b:s6+s2], $0x80, v3, vm0, $0xb8;
	[tilespmem:$0x10080] =	vst v63  }
0x49: {  	v3 =	vld [tilespmem:$0x20];
	_ =	sdelay $0x4  }
0x4a: {  	v62 =	vshll.u32 v3, $0x3  }
0x4b: {  	v3 =	vand.u32 $0x7, v3;
	v4 =	vand.u32 $0xFFFFFFC0, v62  }
0x4c: {  	v3 =	vor.u32 v3, v4  }
0x4d: {  	v4 =	vperm.xlane v3, v0;
	_ =	sdelay $0x1  }
0x4e: {  	v4 =	vadd.s32 v1, v4;
	_ =	sdelay $0x4  }
0x4f: {  	[tilespmem:s15], [sflag:$0x1] =	stream.indirect_vreg.gather [hbm4b:s3+s2], $0x80, v4, vm0, $0xb8;
	[tilespmem:$0x10080] =	vst v63  }
0x50: {  	v3 =	vperm.xlane v3, v2  }
0x51: {  	[tilespmem:s16], [sflag:$0x1] =	stream.indirect_vreg.gather [hbm4b:s4+s2], $0x80, v4, vm0, $0xb8;
	[tilespmem:$0x10080] =	vst v63  }
0x52: {  	v3 =	vadd.s32 v1, v3  }
0x53: {  	[tilespmem:s17], [sflag:$0x1] =	stream.indirect_vreg.gather [hbm4b:s5+s2], $0x80, v4, vm0, $0xb8;
	[tilespmem:$0x10080] =	vst v63  }
0x54: {  	_ = 	snop  }
0x55: {  	[tilespmem:s18], [sflag:$0x1] =	stream.indirect_vreg.gather [hbm4b:s6+s2], $0x80, v4, vm0, $0xb8;
	[tilespmem:$0x10080] =	vst v63  }
0x56: {  	_ = 	snop  }
0x57: {  	[tilespmem:s19], [sflag:$0x1] =	stream.indirect_vreg.gather [hbm4b:s3+s2], $0x80, v3, vm0, $0xb8;
	[tilespmem:$0x10080] =	vst v63  }
0x58: {  	_ = 	snop  }
0x59: {  	[tilespmem:s20], [sflag:$0x1] =	stream.indirect_vreg.gather [hbm4b:s4+s2], $0x80, v3, vm0, $0xb8;
	[tilespmem:$0x10080] =	vst v63  }
0x5a: {  	_ = 	snop  }
0x5b: {  	[tilespmem:s21], [sflag:$0x1] =	stream.indirect_vreg.gather [hbm4b:s5+s2], $0x80, v3, vm0, $0xb8;
	[tilespmem:$0x10080] =	vst v63  }
0x5c: {  	_ = 	snop  }
0x5d: {  	[tilespmem:s22], [sflag:$0x1] =	stream.indirect_vreg.gather [hbm4b:s6+s2], $0x80, v3, vm0, $0xb8;
	[tilespmem:$0x10080] =	vst v63  }
0x5e: {  	v3 =	vld [tilespmem:$0x30];
	_ =	sdelay $0x4  }
0x5f: {  	v63 =	vshll.u32 v3, $0x3  }
0x60: {  	v3 =	vand.u32 $0x7, v3;
	v4 =	vand.u32 $0xFFFFFFC0, v63  }
0x61: {  	v3 =	vor.u32 v3, v4  }
0x62: {  	v4 =	vperm.xlane v3, v0;
	_ =	sdelay $0x1  }
0x63: {  	v4 =	vadd.s32 v1, v4;
	_ =	sdelay $0x4  }
0x64: {  	[tilespmem:s23], [sflag:$0x1] =	stream.indirect_vreg.gather [hbm4b:s3+s2], $0x80, v4, vm0, $0xb8;
	[tilespmem:$0x10080] =	vst v63  }
0x65: {  	v3 =	vperm.xlane v3, v2  }
0x66: {  	[tilespmem:s24], [sflag:$0x1] =	stream.indirect_vreg.gather [hbm4b:s4+s2], $0x80, v4, vm0, $0xb8;
	[tilespmem:$0x10080] =	vst v63  }
0x67: {  	v3 =	vadd.s32 v1, v3  }
0x68: {  	[tilespmem:s25], [sflag:$0x1] =	stream.indirect_vreg.gather [hbm4b:s5+s2], $0x80, v4, vm0, $0xb8;
	[tilespmem:$0x10080] =	vst v63  }
0x69: {  	_ = 	snop  }
0x6a: {  	[tilespmem:s26], [sflag:$0x1] =	stream.indirect_vreg.gather [hbm4b:s6+s2], $0x80, v4, vm0, $0xb8;
	[tilespmem:$0x10080] =	vst v63  }
0x6b: {  	_ = 	snop  }
0x6c: {  	[tilespmem:s28], [sflag:$0x1] =	stream.indirect_vreg.gather [hbm4b:s3+s2], $0x80, v3, vm0, $0xb8;
	[tilespmem:$0x10080] =	vst v63  }
0x6d: {  	_ = 	snop  }
0x6e: {  	[tilespmem:s29], [sflag:$0x1] =	stream.indirect_vreg.gather [hbm4b:s4+s2], $0x80, v3, vm0, $0xb8;
	[tilespmem:$0x10080] =	vst v63  }
0x6f: {  	_ = 	snop  }
0x70: {  	[tilespmem:s30], [sflag:$0x1] =	stream.indirect_vreg.gather [hbm4b:s5+s2], $0x80, v3, vm0, $0xb8;
	[tilespmem:$0x10080] =	vst v63  }
0x71: {  	_ = 	snop  }
0x72: {  	[tilespmem:s31], [sflag:$0x1] =	stream.indirect_vreg.gather [hbm4b:s6+s2], $0x80, v3, vm0, $0xb8;
	[tilespmem:$0x10080] =	vst v63  }
0x73: {  	_ =	swait.ge [sflag:s1], $0x10000  }
0x74: {  	p0 =	sne.s32 s7, $0x1;
	[sflag:s1] =	ssyncset.done $0x0  }
.Ltmp0:
0x75: {  	s10 =	rddreg [dreg:$0x4];
	[sflag:s1] =	ssyncadd.s32 $0xFFFF0000;
	(pc) =	sbr.rel @p0 .LBB2_1-.Ltmp0, $4  }
0x76: {  	[hbm4b:s10+s2] =	stream.linear.scatter [tilespmem:s9], [sflag:$0x2], $0x10000, $0x38;
	[tilespmem:$0x10080] =	vst v63  }
0x77: {  	_ =	swait.ge [sflag:s8], $0x10000  }
0x78: {  	[sflag:s8] =	ssyncset.done $0x0  }
0x79: {  	s7 =	sadd.s32 $0xFFFFFFFF, s7;
	[sflag:s8] =	ssyncadd.s32 $0xFFFF0000  }
0x7a: {  	_ =	sfence.sel $0x180000  }
0x7b: {  	[bflag:$0x0] =	sbarrier.arrive $0xFFFF  }
0x7c: {  	_ =	strace $0x9000004A  }
0x7d: {  	s0 =	stileid.u32;
	[bflag:$0x2] =	sbarrier.arrive $0xFFFF  }
0x7e: {  	p0 =	sne.s32 s0, $0x0;
	s0 =	rddreg [dreg:$0x2]  }
0x7f: {  	s0 =	sadd.s32 @!p0 $0x100000, s0  }
0x80: {  	[sflag:s0] =	ssyncadd.tile.s32 @!p0 $0x1;
	_ =	shalt  }
.Lfunc_end2:
_tile_overlayer_lowered:
.L_overlay_start_2:
0x81: {  	(tag) =	ssettag $0x2  }
0x82: {  	s0 =	rddreg [dreg:$0x0];
	s2 =	stileid.u32  }
0x83: {  	s1 =	rddreg [dreg:$0x1];
	p0 =	sne.s32 s2, $0x0  }
0x84: {  	s3 =	rddreg [dreg:$0x2];
	[bflag:$0x3] =	sbarrier.arrive $0xFFFF;
	s2 =	simm.s32 @!p0 $0x1C02  }
0x85: {  	[timem:s3], [sflag:s2] =	dma.local @!p0 [hbm:s0], s1  }
0x86: {  	s0 =	simm.s32 @!p0 $0x2  }
0x87: {  	_ =	swait.ge @!p0 [sflag:s0], s1  }
0x88: {  	s1 =	ssub.s32 @!p0 $0x0, s1;
	[sflag:s0] =	ssyncset.done @!p0 $0x0  }
0x89: {  	[sflag:s0] =	ssyncadd.s32 @!p0 s1  }
0x8a: {  	[bflag:$0x3] =	sbarrier.arrive $0xFFFF  }
0x8b: {  	_ =	shalt  }

</sc_bundles>
